<compile_context>
chip_gen: v7x
topology: tpu7x:2x2x1
jax: 0.10.2.dev20260603
libtpu: 0.0.44.dev20260713+nightly
codegen_flags: <defaults>
</compile_context>

<pallas_src>
import functools

import jax
import jax.numpy as jnp
from jax import lax
from jax.experimental import pallas as pl
from jax.experimental.pallas import tpu as pltpu
from jax.experimental.pallas import tpu_sc as plsc

N = 10000
E = 320000
H = 128

NC = 2
NS = 16
NW = NC * NS
CHUNK = 128
CHUNKS_PER_W = 80
N_CHUNKS = CHUNKS_PER_W * NW
N_REAL = E // CHUNK
E_PAD = N_CHUNKS * CHUNK
NBUF = 2
PHASES = 2
CPP = CHUNKS_PER_W // PHASES
NGROUPS = CPP // NBUF
ROWS_PER_TILE = 624
TAIL0 = ROWS_PER_TILE * NS
TAIL = N - TAIL0
N_ACC = N + 8


def _encode_body(x_ref, w1_ref, b1_ref, w2_ref, b2_ref, ns_ref, s_ref):
    h = jnp.dot(x_ref[...], w1_ref[...], preferred_element_type=jnp.float32)
    h = jnp.maximum(h + b1_ref[...], 0.0)
    ns = jnp.dot(h, w2_ref[...], preferred_element_type=jnp.float32) + b2_ref[...]
    ns_ref[...] = ns
    s_ref[...] = jnp.sum(ns).reshape(1, 1)


def _encode(x, w1, b1, w2, b2):
    return pl.pallas_call(
        _encode_body,
        out_shape=(
            jax.ShapeDtypeStruct((N, H), jnp.float32),
            jax.ShapeDtypeStruct((1, 1), jnp.float32),
        ),
    )(x, w1, b1, w2, b2)


def _edge_agg_body(ns_hbm, src_hbm, dst_hbm, z2_hbm, z1_hbm,
                   agg_out, deg_out,
                   src_v, dst_v, rows_v, ones_v, agg_sh, deg_sh,
                   gsem, ssem, dsem):
    cid = lax.axis_index("c")
    sid = lax.axis_index("s")
    wid = sid * NC + cid
    row0 = wid * CHUNKS_PER_W

    r0 = sid * ROWS_PER_TILE
    pltpu.sync_copy(z2_hbm.at[pl.ds(r0, ROWS_PER_TILE)],
                    agg_sh.at[pl.ds(r0, ROWS_PER_TILE)])

    @pl.when(sid == NS - 1)
    def _():
        pltpu.sync_copy(z2_hbm.at[pl.ds(TAIL0, TAIL)],
                        agg_sh.at[pl.ds(TAIL0, TAIL)])

    @pl.when(sid == 0)
    def _():
        pltpu.sync_copy(z1_hbm, deg_sh)

    for j in range(CHUNK // 16):
        ones_v[pl.ds(16 * j, 16)] = jnp.ones((16,), jnp.float32)

    plsc.subcore_barrier()

    def _gather(k, b):
        return pltpu.make_async_copy(ns_hbm.at[src_v.at[k]], rows_v[b], gsem[b])

    def _scat_rows(k, b):
        return pltpu.make_async_copy(rows_v[b], agg_sh.at[dst_v.at[k]], ssem[b])

    def _scat_deg(k, b):
        return pltpu.make_async_copy(ones_v, deg_sh.at[dst_v.at[k]], dsem[b])

    for phase in range(PHASES):
        rp = row0 + phase * CPP
        pltpu.sync_copy(src_hbm.at[pl.ds(rp, CPP)], src_v)
        pltpu.sync_copy(dst_hbm.at[pl.ds(rp, CPP)], dst_v)

        def real(k):
            return rp + k < N_REAL

        for b in range(NBUF):
            @pl.when(real(b))
            def _():
                _gather(b, b).start()

        def body(g, _):
            for b in range(NBUF):
                k = g * NBUF + b

                @pl.when(real(k))
                def _():
                    _gather(k, b).wait()
                    _scat_rows(k, b).start(add=True)
                    _scat_deg(k, b).start(add=True)

                @pl.when((g < NGROUPS - 1) & real(k + NBUF))
                def _():
                    _scat_rows(k, b).wait()
                    _scat_deg(k, b).wait()
                    _gather(k + NBUF, b).start()

            return ()

        lax.fori_loop(0, NGROUPS, body, ())

        last = (NGROUPS - 1) * NBUF
        for b in range(NBUF):
            @pl.when(real(last + b))
            def _():
                _scat_rows(last + b, b).wait()
                _scat_deg(last + b, b).wait()

    plsc.subcore_barrier()

    pltpu.sync_copy(agg_sh.at[pl.ds(r0, ROWS_PER_TILE)],
                    agg_out.at[cid, pl.ds(r0, ROWS_PER_TILE)])

    @pl.when(sid == NS - 1)
    def _():
        pltpu.sync_copy(agg_sh.at[pl.ds(TAIL0, TAIL)],
                        agg_out.at[cid, pl.ds(TAIL0, TAIL)])

    @pl.when(sid == 0)
    def _():
        pltpu.sync_copy(deg_sh, deg_out.at[cid])


_edge_agg = functools.partial(
    pl.kernel,
    out_type=(
        jax.ShapeDtypeStruct((NC, N, H), jnp.float32),
        jax.ShapeDtypeStruct((NC, N_ACC), jnp.float32),
    ),
    mesh=plsc.VectorSubcoreMesh(core_axis_name="c", subcore_axis_name="s",
                                num_cores=NC, num_subcores=NS),
    scratch_types=[
        pltpu.VMEM((CPP, CHUNK), jnp.int32),
        pltpu.VMEM((CPP, CHUNK), jnp.int32),
        [pltpu.VMEM((CHUNK, H), jnp.float32)] * NBUF,
        pltpu.VMEM((CHUNK,), jnp.float32),
        pltpu.VMEM_SHARED((N_ACC, H), jnp.float32),
        pltpu.VMEM_SHARED((N_ACC,), jnp.float32),
        [pltpu.SemaphoreType.DMA] * NBUF,
        [pltpu.SemaphoreType.DMA] * NBUF,
        [pltpu.SemaphoreType.DMA] * NBUF,
    ],
)(_edge_agg_body)


def _finish_body(agg_ref, deg_ref, s_ref, wg_ref, bg_ref, wphi_ref, bphi_ref,
                 we1_ref, be1_ref, we2_ref, be2_ref,
                 phi_ref, ent_ref, zk_ref, gs_ref):
    agg = agg_ref[0] + agg_ref[1]
    deg = (deg_ref[0] + deg_ref[1])[:N]
    agg = agg / jnp.clip(deg, 1.0)[:, None]
    g = jnp.dot(agg, wg_ref[...], preferred_element_type=jnp.float32)
    g = jnp.maximum(g + bg_ref[...], 0.0)
    gs = (jnp.sum(g, axis=0, keepdims=True) / N)
    gs_ref[...] = gs
    phi_ref[...] = jnp.dot(gs, wphi_ref[...],
                           preferred_element_type=jnp.float32) + bphi_ref[...]
    e = jnp.maximum(jnp.dot(gs, we1_ref[...],
                            preferred_element_type=jnp.float32) + be1_ref[...], 0.0)
    logit = jnp.dot(e, we2_ref[...],
                    preferred_element_type=jnp.float32) + be2_ref[...]
    ent_ref[...] = 1.0 / (1.0 + jnp.exp(-logit))
    zk_ref[...] = jnp.tanh(s_ref[...] / N)


def _finish(agg2, deg2, s, wg, bg, wphi, bphi, we1, be1, we2, be2):
    return pl.pallas_call(
        _finish_body,
        out_shape=(
            jax.ShapeDtypeStruct((1, 1), jnp.float32),
            jax.ShapeDtypeStruct((1, 1), jnp.float32),
            jax.ShapeDtypeStruct((1, 1), jnp.float32),
            jax.ShapeDtypeStruct((1, H), jnp.float32),
        ),
    )(agg2, deg2, s, wg, bg, wphi, bphi, we1, be1, we2, be2)


def kernel(neural_data, edge_index, W1, b1, W2, b2, Wg, bg, Wphi, bphi,
           We1, be1, We2, be2):
    ns, s = _encode(neural_data, W1, b1.reshape(1, H), W2, b2.reshape(1, H))
    npad = E_PAD - E
    src = jnp.concatenate([edge_index[0], jnp.zeros((npad,), jnp.int32)])
    dst = jnp.concatenate([edge_index[1], jnp.full((npad,), N, jnp.int32)])
    src2 = src.reshape(N_CHUNKS, CHUNK)
    dst2 = dst.reshape(N_CHUNKS, CHUNK)
    z2 = jnp.zeros((N, H), jnp.float32)
    z1 = jnp.zeros((N_ACC,), jnp.float32)
    agg2, deg2 = _edge_agg(ns, src2, dst2, z2, z1)
    phi, ent, zk, gs = _finish(agg2, deg2, s, Wg, bg.reshape(1, H),
                               Wphi, bphi.reshape(1, 1),
                               We1, be1.reshape(1, 64), We2, be2.reshape(1, 1))
    return (phi, ent, zk[0, 0], gs)

# --- scband reference (transcript-rebuilt; emitter-appended) ---
"""Pipeline reference for scband-ngrbridge-36060545417595 (READ-ONLY COPY).

The authoritative reference and input builder live on the scoring server;
editing this copy changes nothing except your own understanding.
"""

import jax, jax.numpy as jnp
import numpy as np

N_NODES = 10000
N_EDGES = 320000
NEURAL_DIM = 4
HIDDEN = 128


def setup_inputs(seed: int = 0) -> dict:
    key = jax.random.key(seed)
    ks = jax.random.split(key, 16)
    inp = {}
    inp["neural_data"] = jax.random.normal(ks[0], (N_NODES, NEURAL_DIM), dtype=jnp.float32)
    inp["edge_index"] = jax.random.randint(ks[1], (2, N_EDGES), 0, N_NODES, dtype=jnp.int32)
    # NeuromancerNode params: MLP biometric_dim -> hidden -> hidden
    inp["W1"] = jax.random.normal(ks[2], (NEURAL_DIM, HIDDEN), dtype=jnp.float32) / np.sqrt(NEURAL_DIM)
    inp["b1"] = jnp.zeros((HIDDEN,), dtype=jnp.float32)
    inp["W2"] = jax.random.normal(ks[3], (HIDDEN, HIDDEN), dtype=jnp.float32) / np.sqrt(HIDDEN)
    inp["b2"] = jnp.zeros((HIDDEN,), dtype=jnp.float32)
    # WintermuteLayer (mean-aggregation message passing) params
    inp["Wg"] = jax.random.normal(ks[4], (HIDDEN, HIDDEN), dtype=jnp.float32) / np.sqrt(HIDDEN)
    inp["bg"] = jnp.zeros((HIDDEN,), dtype=jnp.float32)
    # phi_q head
    inp["Wphi"] = jax.random.normal(ks[5], (HIDDEN, 1), dtype=jnp.float32) / np.sqrt(HIDDEN)
    inp["bphi"] = jnp.zeros((1,), dtype=jnp.float32)
    # entropy head: Linear(128,64) ReLU Linear(64,1) Sigmoid
    inp["We1"] = jax.random.normal(ks[6], (HIDDEN, 64), dtype=jnp.float32) / np.sqrt(HIDDEN)
    inp["be1"] = jnp.zeros((64,), dtype=jnp.float32)
    inp["We2"] = jax.random.normal(ks[7], (64, 1), dtype=jnp.float32) / np.sqrt(64)
    inp["be2"] = jnp.zeros((1,), dtype=jnp.float32)
    return inp


def reference(neural_data, edge_index, W1, b1, W2, b2, Wg, bg, Wphi, bphi, We1, be1, We2, be2):
    # NeuromancerNode: encode biometric signatures into node states + zk proof scalar
    h = jnp.maximum(neural_data @ W1 + b1, 0.0)
    node_states = h @ W2 + b2  # [N, HIDDEN]
    zk_proof = jnp.tanh(jnp.mean(jnp.sum(node_states, axis=-1)))
    # WintermuteLayer: mean-aggregation message passing over grid topology
    src = edge_index[0]
    dst = edge_index[1]
    msg = jnp.take(node_states, src, axis=0)  # gather [E, HIDDEN]
    agg = jax.ops.segment_sum(msg, dst, num_segments=N_NODES)  # scatter-add
    deg = jax.ops.segment_sum(jnp.ones((N_EDGES,), dtype=jnp.float32), dst, num_segments=N_NODES)
    agg = agg / jnp.clip(deg, 1.0)[:, None]
    grid_coherence = agg @ Wg + bg
    grid_coherence = jnp.maximum(grid_coherence, 0.0)
    global_state = jnp.mean(grid_coherence, axis=0, keepdims=True)  # [1, HIDDEN]
    phi_q = global_state @ Wphi + bphi  # [1, 1]
    e = jnp.maximum(global_state @ We1 + be1, 0.0)
    grid_entropy = jax.nn.sigmoid(e @ We2 + be2)  # [1, 1]
    return (phi_q, grid_entropy, zk_proof, global_state)

if __name__ == "__main__":
    import jax
    _d = setup_inputs()
    print(jax.jit(kernel)(*tuple(_d.values())))

</pallas_src>

<mosaic_0001>
#map = affine_map<(d0, d1) -> (0, 0)>
#map1 = affine_map<(d0, d1) -> (0)>
#map2 = affine_map<(d0, d1) -> (0, 0, 0)>
module attributes {stable_mosaic.version = 14 : i64} {
  func.func @_edge_agg_body(%arg0: i32, %arg1: i32, %arg2: memref<10000x128xf32, #tpu.memory_space<hbm>>, %arg3: memref<2560x128xi32, #tpu.memory_space<hbm>>, %arg4: memref<2560x128xi32, #tpu.memory_space<hbm>>, %arg5: memref<10000x128xf32, #tpu.memory_space<hbm>>, %arg6: memref<10008xf32, #tpu.memory_space<hbm>>, %arg7: memref<2x10000x128xf32, #tpu.memory_space<hbm>>, %arg8: memref<2x10008xf32, #tpu.memory_space<hbm>>, %arg9: memref<40x128xi32, #tpu.memory_space<vmem>>, %arg10: memref<40x128xi32, #tpu.memory_space<vmem>>, %arg11: memref<128x128xf32, #tpu.memory_space<vmem>>, %arg12: memref<128x128xf32, #tpu.memory_space<vmem>>, %arg13: memref<128xf32, #tpu.memory_space<vmem>>, %arg14: memref<10008x128xf32, #tpu.memory_space<vmem_shared>>, %arg15: memref<10008xf32, #tpu.memory_space<vmem_shared>>, %arg16: memref<!tpu.dma_semaphore, #tpu.memory_space<semaphore_mem>>, %arg17: memref<!tpu.dma_semaphore, #tpu.memory_space<semaphore_mem>>, %arg18: memref<!tpu.dma_semaphore, #tpu.memory_space<semaphore_mem>>, %arg19: memref<!tpu.dma_semaphore, #tpu.memory_space<semaphore_mem>>, %arg20: memref<!tpu.dma_semaphore, #tpu.memory_space<semaphore_mem>>, %arg21: memref<!tpu.dma_semaphore, #tpu.memory_space<semaphore_mem>>) attributes {dimension_semantics = [#tpu.dimension_semantics<core_parallel>, #tpu.dimension_semantics<subcore_parallel>], iteration_bounds = array<i64: 2, 16>, scalar_prefetch = 0 : i64, scratch_operands = 13 : i64, tpu.core_type = #tpu.core_type<sc_vector_subcore>, window_params = [{transform_indices = #map}, {transform_indices = #map}, {transform_indices = #map}, {transform_indices = #map}, {transform_indices = #map1}, {transform_indices = #map2}, {transform_indices = #map}]} {
    %mul3A = arith.constant 2 : i32
    %mul3A_0 = arith.muli %arg1, %mul3A : i32
    %add3A = arith.addi %mul3A_0, %arg0 : i32
    %mul3A_1 = arith.constant 80 : i32
    %mul3A_2 = arith.muli %add3A, %mul3A_1 : i32
    %mul3A_3 = arith.constant 624 : i32
    %mul3A_4 = arith.muli %arg1, %mul3A_3 : i32
    "tpu.region"() ({
      %run_scoped3A = tpu.sem_alloc : memref<!tpu.dma_semaphore, #tpu.memory_space<semaphore_mem>>
      %dma_start3A = arith.constant 0 : i32
      %dma_start3A_137 = tpu.memref_slice %arg14[%mul3A_4, %dma_start3A] : memref<10008x128xf32, #tpu.memory_space<vmem_shared>> -> memref<624x128xf32, #tpu.memory_space<vmem_shared>>
      %dma_start3A_138 = arith.constant 0 : i32
      %dma_start3A_139 = tpu.memref_slice %arg5[%mul3A_4, %dma_start3A_138] : memref<10000x128xf32, #tpu.memory_space<hbm>> -> memref<624x128xf32, #tpu.memory_space<hbm>>
      tpu.enqueue_dma source(%dma_start3A_139 : memref<624x128xf32, #tpu.memory_space<hbm>>) target(%dma_start3A_137 : memref<624x128xf32, #tpu.memory_space<vmem_shared>>) target_semaphore(%run_scoped3A : memref<!tpu.dma_semaphore, #tpu.memory_space<semaphore_mem>>)
      %dma_wait3A = arith.constant 0 : i32
      %dma_wait3A_140 = tpu.memref_slice %arg14[%mul3A_4, %dma_wait3A] : memref<10008x128xf32, #tpu.memory_space<vmem_shared>> -> memref<624x128xf32, #tpu.memory_space<vmem_shared>>
      %dma_wait3A_141 = arith.constant 0 : i32
      %dma_wait3A_142 = tpu.memref_slice %arg5[%mul3A_4, %dma_wait3A_141] : memref<10000x128xf32, #tpu.memory_space<hbm>> -> memref<624x128xf32, #tpu.memory_space<hbm>>
      tpu.wait_dma2 semaphore(%run_scoped3A : memref<!tpu.dma_semaphore, #tpu.memory_space<semaphore_mem>>) src(%dma_wait3A_142 : memref<624x128xf32, #tpu.memory_space<hbm>>) dst(%dma_wait3A_140 : memref<624x128xf32, #tpu.memory_space<vmem_shared>>)
      tpu.yield
    }) : () -> ()
    %eq3A = arith.constant 15 : i32
    %eq3A_5 = arith.cmpi eq, %arg1, %eq3A : i32
    %convert_element_type3A = arith.extui %eq3A_5 : i1 to i32
    %cond3A = arith.constant 0 : i32
    %cond3A_6 = arith.cmpi ne, %convert_element_type3A, %cond3A : i32
    scf.if %cond3A_6 {
      "tpu.region"() ({
        %run_scoped3A = tpu.sem_alloc : memref<!tpu.dma_semaphore, #tpu.memory_space<semaphore_mem>>
        %dma_start3A = arith.constant 9984 : i32
        %dma_start3A_137 = arith.constant 0 : i32
        %dma_start3A_138 = tpu.memref_slice %arg14[%dma_start3A, %dma_start3A_137] : memref<10008x128xf32, #tpu.memory_space<vmem_shared>> -> memref<16x128xf32, #tpu.memory_space<vmem_shared>>
        %dma_start3A_139 = arith.constant 9984 : i32
        %dma_start3A_140 = arith.constant 0 : i32
        %dma_start3A_141 = tpu.memref_slice %arg5[%dma_start3A_139, %dma_start3A_140] : memref<10000x128xf32, #tpu.memory_space<hbm>> -> memref<16x128xf32, #tpu.memory_space<hbm>>
        tpu.enqueue_dma source(%dma_start3A_141 : memref<16x128xf32, #tpu.memory_space<hbm>>) target(%dma_start3A_138 : memref<16x128xf32, #tpu.memory_space<vmem_shared>>) target_semaphore(%run_scoped3A : memref<!tpu.dma_semaphore, #tpu.memory_space<semaphore_mem>>)
        %dma_wait3A = arith.constant 9984 : i32
        %dma_wait3A_142 = arith.constant 0 : i32
        %dma_wait3A_143 = tpu.memref_slice %arg14[%dma_wait3A, %dma_wait3A_142] : memref<10008x128xf32, #tpu.memory_space<vmem_shared>> -> memref<16x128xf32, #tpu.memory_space<vmem_shared>>
        %dma_wait3A_144 = arith.constant 9984 : i32
        %dma_wait3A_145 = arith.constant 0 : i32
        %dma_wait3A_146 = tpu.memref_slice %arg5[%dma_wait3A_144, %dma_wait3A_145] : memref<10000x128xf32, #tpu.memory_space<hbm>> -> memref<16x128xf32, #tpu.memory_space<hbm>>
        tpu.wait_dma2 semaphore(%run_scoped3A : memref<!tpu.dma_semaphore, #tpu.memory_space<semaphore_mem>>) src(%dma_wait3A_146 : memref<16x128xf32, #tpu.memory_space<hbm>>) dst(%dma_wait3A_143 : memref<16x128xf32, #tpu.memory_space<vmem_shared>>)
        tpu.yield
      }) : () -> ()
    } else {
    }
    %eq3A_7 = arith.constant 0 : i32
    %eq3A_8 = arith.cmpi eq, %arg1, %eq3A_7 : i32
    %convert_element_type3A_9 = arith.extui %eq3A_8 : i1 to i32
    %cond3A_10 = arith.constant 0 : i32
    %cond3A_11 = arith.cmpi ne, %convert_element_type3A_9, %cond3A_10 : i32
    scf.if %cond3A_11 {
      "tpu.region"() ({
        %run_scoped3A = tpu.sem_alloc : memref<!tpu.dma_semaphore, #tpu.memory_space<semaphore_mem>>
        tpu.enqueue_dma source(%arg6 : memref<10008xf32, #tpu.memory_space<hbm>>) target(%arg15 : memref<10008xf32, #tpu.memory_space<vmem_shared>>) target_semaphore(%run_scoped3A : memref<!tpu.dma_semaphore, #tpu.memory_space<semaphore_mem>>)
        tpu.wait_dma2 semaphore(%run_scoped3A : memref<!tpu.dma_semaphore, #tpu.memory_space<semaphore_mem>>) src(%arg6 : memref<10008xf32, #tpu.memory_space<hbm>>) dst(%arg15 : memref<10008xf32, #tpu.memory_space<vmem_shared>>)
        tpu.yield
      }) : () -> ()
    } else {
    }
    %broadcast_in_dim3A = arith.constant 1.000000e+00 : f32
    %broadcast_in_dim3A_12 = vector.broadcast %broadcast_in_dim3A : f32 to vector<16xf32>
    %swap3A = arith.constant 0 : index
    %swap3A_13 = tpu.vector_load %arg13[%swap3A] {strides = array<i32>} : memref<128xf32, #tpu.memory_space<vmem>>, vector<16xf32>,
    %swap3A_14 = vector.shape_cast %swap3A_13 : vector<16xf32> to vector<16xf32>
    %swap3A_15 = vector.shape_cast %broadcast_in_dim3A_12 : vector<16xf32> to vector<16xf32>
    tpu.vector_store %arg13[%swap3A], %swap3A_15 {strides = array<i32>} : memref<128xf32, #tpu.memory_space<vmem>>, vector<16xf32>,
    %broadcast_in_dim3A_16 = arith.constant 1.000000e+00 : f32
    %broadcast_in_dim3A_17 = vector.broadcast %broadcast_in_dim3A_16 : f32 to vector<16xf32>
    %swap3A_18 = arith.constant 16 : index
    %swap3A_19 = tpu.vector_load %arg13[%swap3A_18] {strides = array<i32>} : memref<128xf32, #tpu.memory_space<vmem>>, vector<16xf32>,
    %swap3A_20 = vector.shape_cast %swap3A_19 : vector<16xf32> to vector<16xf32>
    %swap3A_21 = vector.shape_cast %broadcast_in_dim3A_17 : vector<16xf32> to vector<16xf32>
    tpu.vector_store %arg13[%swap3A_18], %swap3A_21 {strides = array<i32>} : memref<128xf32, #tpu.memory_space<vmem>>, vector<16xf32>,
    %broadcast_in_dim3A_22 = arith.constant 1.000000e+00 : f32
    %broadcast_in_dim3A_23 = vector.broadcast %broadcast_in_dim3A_22 : f32 to vector<16xf32>
    %swap3A_24 = arith.constant 32 : index
    %swap3A_25 = tpu.vector_load %arg13[%swap3A_24] {strides = array<i32>} : memref<128xf32, #tpu.memory_space<vmem>>, vector<16xf32>,
    %swap3A_26 = vector.shape_cast %swap3A_25 : vector<16xf32> to vector<16xf32>
    %swap3A_27 = vector.shape_cast %broadcast_in_dim3A_23 : vector<16xf32> to vector<16xf32>
    tpu.vector_store %arg13[%swap3A_24], %swap3A_27 {strides = array<i32>} : memref<128xf32, #tpu.memory_space<vmem>>, vector<16xf32>,
    %broadcast_in_dim3A_28 = arith.constant 1.000000e+00 : f32
    %broadcast_in_dim3A_29 = vector.broadcast %broadcast_in_dim3A_28 : f32 to vector<16xf32>
    %swap3A_30 = arith.constant 48 : index
    %swap3A_31 = tpu.vector_load %arg13[%swap3A_30] {strides = array<i32>} : memref<128xf32, #tpu.memory_space<vmem>>, vector<16xf32>,
    %swap3A_32 = vector.shape_cast %swap3A_31 : vector<16xf32> to vector<16xf32>
    %swap3A_33 = vector.shape_cast %broadcast_in_dim3A_29 : vector<16xf32> to vector<16xf32>
    tpu.vector_store %arg13[%swap3A_30], %swap3A_33 {strides = array<i32>} : memref<128xf32, #tpu.memory_space<vmem>>, vector<16xf32>,
    %broadcast_in_dim3A_34 = arith.constant 1.000000e+00 : f32
    %broadcast_in_dim3A_35 = vector.broadcast %broadcast_in_dim3A_34 : f32 to vector<16xf32>
    %swap3A_36 = arith.constant 64 : index
    %swap3A_37 = tpu.vector_load %arg13[%swap3A_36] {strides = array<i32>} : memref<128xf32, #tpu.memory_space<vmem>>, vector<16xf32>,
    %swap3A_38 = vector.shape_cast %swap3A_37 : vector<16xf32> to vector<16xf32>
    %swap3A_39 = vector.shape_cast %broadcast_in_dim3A_35 : vector<16xf32> to vector<16xf32>
    tpu.vector_store %arg13[%swap3A_36], %swap3A_39 {strides = array<i32>} : memref<128xf32, #tpu.memory_space<vmem>>, vector<16xf32>,
    %broadcast_in_dim3A_40 = arith.constant 1.000000e+00 : f32
    %broadcast_in_dim3A_41 = vector.broadcast %broadcast_in_dim3A_40 : f32 to vector<16xf32>
    %swap3A_42 = arith.constant 80 : index
    %swap3A_43 = tpu.vector_load %arg13[%swap3A_42] {strides = array<i32>} : memref<128xf32, #tpu.memory_space<vmem>>, vector<16xf32>,
    %swap3A_44 = vector.shape_cast %swap3A_43 : vector<16xf32> to vector<16xf32>
    %swap3A_45 = vector.shape_cast %broadcast_in_dim3A_41 : vector<16xf32> to vector<16xf32>
    tpu.vector_store %arg13[%swap3A_42], %swap3A_45 {strides = array<i32>} : memref<128xf32, #tpu.memory_space<vmem>>, vector<16xf32>,
    %broadcast_in_dim3A_46 = arith.constant 1.000000e+00 : f32
    %broadcast_in_dim3A_47 = vector.broadcast %broadcast_in_dim3A_46 : f32 to vector<16xf32>
    %swap3A_48 = arith.constant 96 : index
    %swap3A_49 = tpu.vector_load %arg13[%swap3A_48] {strides = array<i32>} : memref<128xf32, #tpu.memory_space<vmem>>, vector<16xf32>,
    %swap3A_50 = vector.shape_cast %swap3A_49 : vector<16xf32> to vector<16xf32>
    %swap3A_51 = vector.shape_cast %broadcast_in_dim3A_47 : vector<16xf32> to vector<16xf32>
    tpu.vector_store %arg13[%swap3A_48], %swap3A_51 {strides = array<i32>} : memref<128xf32, #tpu.memory_space<vmem>>, vector<16xf32>,
    %broadcast_in_dim3A_52 = arith.constant 1.000000e+00 : f32
    %broadcast_in_dim3A_53 = vector.broadcast %broadcast_in_dim3A_52 : f32 to vector<16xf32>
    %swap3A_54 = arith.constant 112 : index
    %swap3A_55 = tpu.vector_load %arg13[%swap3A_54] {strides = array<i32>} : memref<128xf32, #tpu.memory_space<vmem>>, vector<16xf32>,
    %swap3A_56 = vector.shape_cast %swap3A_55 : vector<16xf32> to vector<16xf32>
    %swap3A_57 = vector.shape_cast %broadcast_in_dim3A_53 : vector<16xf32> to vector<16xf32>
    tpu.vector_store %arg13[%swap3A_54], %swap3A_57 {strides = array<i32>} : memref<128xf32, #tpu.memory_space<vmem>>, vector<16xf32>,
    %barrier3A = arith.constant 0 : index
    tpu.barrier barrier_id(%barrier3A)
    %add3A_58 = arith.constant 0 : i32
    %add3A_59 = arith.addi %mul3A_2, %add3A_58 : i32
    "tpu.region"() ({
      %run_scoped3A = tpu.sem_alloc : memref<!tpu.dma_semaphore, #tpu.memory_space<semaphore_mem>>
      %dma_start3A = arith.constant 0 : i32
      %dma_start3A_137 = tpu.memref_slice %arg3[%add3A_59, %dma_start3A] : memref<2560x128xi32, #tpu.memory_space<hbm>> -> memref<40x128xi32, #tpu.memory_space<hbm>>
      %dma_start3A_138 = arith.constant 0 : i32
      %dma_start3A_139 = tpu.memref_slice %arg3[%add3A_59, %dma_start3A_138] : memref<2560x128xi32, #tpu.memory_space<hbm>> -> memref<40x128xi32, #tpu.memory_space<hbm>>
      tpu.enqueue_dma source(%dma_start3A_139 : memref<40x128xi32, #tpu.memory_space<hbm>>) target(%arg9 : memref<40x128xi32, #tpu.memory_space<vmem>>) target_semaphore(%run_scoped3A : memref<!tpu.dma_semaphore, #tpu.memory_space<semaphore_mem>>)
      %dma_wait3A = arith.constant 0 : i32
      %dma_wait3A_140 = tpu.memref_slice %arg3[%add3A_59, %dma_wait3A] : memref<2560x128xi32, #tpu.memory_space<hbm>> -> memref<40x128xi32, #tpu.memory_space<hbm>>
      %dma_wait3A_141 = arith.constant 0 : i32
      %dma_wait3A_142 = tpu.memref_slice %arg3[%add3A_59, %dma_wait3A_141] : memref<2560x128xi32, #tpu.memory_space<hbm>> -> memref<40x128xi32, #tpu.memory_space<hbm>>
      tpu.wait_dma2 semaphore(%run_scoped3A : memref<!tpu.dma_semaphore, #tpu.memory_space<semaphore_mem>>) src(%dma_wait3A_142 : memref<40x128xi32, #tpu.memory_space<hbm>>) dst(%arg9 : memref<40x128xi32, #tpu.memory_space<vmem>>)
      tpu.yield
    }) : () -> ()
    "tpu.region"() ({
      %run_scoped3A = tpu.sem_alloc : memref<!tpu.dma_semaphore, #tpu.memory_space<semaphore_mem>>
      %dma_start3A = arith.constant 0 : i32
      %dma_start3A_137 = tpu.memref_slice %arg4[%add3A_59, %dma_start3A] : memref<2560x128xi32, #tpu.memory_space<hbm>> -> memref<40x128xi32, #tpu.memory_space<hbm>>
      %dma_start3A_138 = arith.constant 0 : i32
      %dma_start3A_139 = tpu.memref_slice %arg4[%add3A_59, %dma_start3A_138] : memref<2560x128xi32, #tpu.memory_space<hbm>> -> memref<40x128xi32, #tpu.memory_space<hbm>>
      tpu.enqueue_dma source(%dma_start3A_139 : memref<40x128xi32, #tpu.memory_space<hbm>>) target(%arg10 : memref<40x128xi32, #tpu.memory_space<vmem>>) target_semaphore(%run_scoped3A : memref<!tpu.dma_semaphore, #tpu.memory_space<semaphore_mem>>)
      %dma_wait3A = arith.constant 0 : i32
      %dma_wait3A_140 = tpu.memref_slice %arg4[%add3A_59, %dma_wait3A] : memref<2560x128xi32, #tpu.memory_space<hbm>> -> memref<40x128xi32, #tpu.memory_space<hbm>>
      %dma_wait3A_141 = arith.constant 0 : i32
      %dma_wait3A_142 = tpu.memref_slice %arg4[%add3A_59, %dma_wait3A_141] : memref<2560x128xi32, #tpu.memory_space<hbm>> -> memref<40x128xi32, #tpu.memory_space<hbm>>
      tpu.wait_dma2 semaphore(%run_scoped3A : memref<!tpu.dma_semaphore, #tpu.memory_space<semaphore_mem>>) src(%dma_wait3A_142 : memref<40x128xi32, #tpu.memory_space<hbm>>) dst(%arg10 : memref<40x128xi32, #tpu.memory_space<vmem>>)
      tpu.yield
    }) : () -> ()
    %add3A_60 = arith.constant 0 : i32
    %add3A_61 = arith.addi %add3A_59, %add3A_60 : i32
    %lt3A = arith.constant 2500 : i32
    %lt3A_62 = arith.cmpi slt, %add3A_61, %lt3A : i32
    %convert_element_type3A_63 = arith.extui %lt3A_62 : i1 to i32
    %cond3A_64 = arith.constant 0 : i32
    %cond3A_65 = arith.cmpi ne, %convert_element_type3A_63, %cond3A_64 : i32
    scf.if %cond3A_65 {
      %dma_start3A = arith.constant 0 : i32
      %dma_start3A_137 = arith.constant 0 : i32
      %dma_start3A_138 = tpu.memref_slice %arg9[%dma_start3A, %dma_start3A_137] : memref<40x128xi32, #tpu.memory_space<vmem>> -> memref<1x128xi32, #tpu.memory_space<vmem>>
      %dma_start3A_139 = tpu.memref_squeeze %dma_start3A_138 : memref<1x128xi32, #tpu.memory_space<vmem>> -> memref<128xi32, #tpu.memory_space<vmem>>
      %dma_start3A_140 = arith.constant 0 : i32
      %dma_start3A_141 = arith.constant 0 : i32
      %dma_start3A_142 = tpu.memref_slice %arg2[%dma_start3A_140, %dma_start3A_141] : memref<10000x128xf32, #tpu.memory_space<hbm>> -> memref<10000x128xf32, #tpu.memory_space<hbm>>
      tpu.enqueue_indirect_dma source(%dma_start3A_142 : memref<10000x128xf32, #tpu.memory_space<hbm>>) target(%arg11 : memref<128x128xf32, #tpu.memory_space<vmem>>) offsets(%dma_start3A_139 : memref<128xi32, #tpu.memory_space<vmem>>) semaphore(%arg16 : memref<!tpu.dma_semaphore, #tpu.memory_space<semaphore_mem>>)
    } else {
    }
    %add3A_66 = arith.constant 1 : i32
    %add3A_67 = arith.addi %add3A_59, %add3A_66 : i32
    %lt3A_68 = arith.constant 2500 : i32
    %lt3A_69 = arith.cmpi slt, %add3A_67, %lt3A_68 : i32
    %convert_element_type3A_70 = arith.extui %lt3A_69 : i1 to i32
    %cond3A_71 = arith.constant 0 : i32
    %cond3A_72 = arith.cmpi ne, %convert_element_type3A_70, %cond3A_71 : i32
    scf.if %cond3A_72 {
      %dma_start3A = arith.constant 1 : i32
      %dma_start3A_137 = arith.constant 0 : i32
      %dma_start3A_138 = tpu.memref_slice %arg9[%dma_start3A, %dma_start3A_137] : memref<40x128xi32, #tpu.memory_space<vmem>> -> memref<1x128xi32, #tpu.memory_space<vmem>>
      %dma_start3A_139 = tpu.memref_squeeze %dma_start3A_138 : memref<1x128xi32, #tpu.memory_space<vmem>> -> memref<128xi32, #tpu.memory_space<vmem>>
      %dma_start3A_140 = arith.constant 0 : i32
      %dma_start3A_141 = arith.constant 0 : i32
      %dma_start3A_142 = tpu.memref_slice %arg2[%dma_start3A_140, %dma_start3A_141] : memref<10000x128xf32, #tpu.memory_space<hbm>> -> memref<10000x128xf32, #tpu.memory_space<hbm>>
      tpu.enqueue_indirect_dma source(%dma_start3A_142 : memref<10000x128xf32, #tpu.memory_space<hbm>>) target(%arg12 : memref<128x128xf32, #tpu.memory_space<vmem>>) offsets(%dma_start3A_139 : memref<128xi32, #tpu.memory_space<vmem>>) semaphore(%arg17 : memref<!tpu.dma_semaphore, #tpu.memory_space<semaphore_mem>>)
    } else {
    }
    %scan3A = arith.constant 0 : i32
    %scan3A_73 = arith.constant 20 : i32
    %scan3A_74 = arith.addi %scan3A, %scan3A_73 : i32
    %scan3A_75 = arith.constant 1 : i32
    scf.for %scan3A_137 = %scan3A to %scan3A_74 step %scan3A_75  : i32 {
      %mul3A_138 = arith.constant 2 : i32
      %mul3A_139 = arith.muli %scan3A_137, %mul3A_138 : i32
      %add3A_140 = arith.constant 0 : i32
      %add3A_141 = arith.addi %mul3A_139, %add3A_140 : i32
      %add3A_142 = arith.addi %add3A_59, %add3A_141 : i32
      %lt3A_143 = arith.constant 2500 : i32
      %lt3A_144 = arith.cmpi slt, %add3A_142, %lt3A_143 : i32
      %convert_element_type3A_145 = arith.extui %lt3A_144 : i1 to i32
      %cond3A_146 = arith.constant 0 : i32
      %cond3A_147 = arith.cmpi ne, %convert_element_type3A_145, %cond3A_146 : i32
      scf.if %cond3A_147 {
        %dma_wait3A = arith.constant 0 : i32
        %dma_wait3A_179 = tpu.memref_slice %arg9[%add3A_141, %dma_wait3A] : memref<40x128xi32, #tpu.memory_space<vmem>> -> memref<1x128xi32, #tpu.memory_space<vmem>>
        %dma_wait3A_180 = tpu.memref_squeeze %dma_wait3A_179 : memref<1x128xi32, #tpu.memory_space<vmem>> -> memref<128xi32, #tpu.memory_space<vmem>>
        %dma_wait3A_181 = arith.constant 0 : i32
        %dma_wait3A_182 = arith.constant 0 : i32
        %dma_wait3A_183 = tpu.memref_slice %arg2[%dma_wait3A_181, %dma_wait3A_182] : memref<10000x128xf32, #tpu.memory_space<hbm>> -> memref<10000x128xf32, #tpu.memory_space<hbm>>
        tpu.wait_indirect_dma semaphore(%arg16 : memref<!tpu.dma_semaphore, #tpu.memory_space<semaphore_mem>>) src(%dma_wait3A_183 : memref<10000x128xf32, #tpu.memory_space<hbm>>) dst(%arg11 : memref<128x128xf32, #tpu.memory_space<vmem>>)
        %dma_start3A = arith.constant 0 : i32
        %dma_start3A_184 = tpu.memref_slice %arg10[%add3A_141, %dma_start3A] : memref<40x128xi32, #tpu.memory_space<vmem>> -> memref<1x128xi32, #tpu.memory_space<vmem>>
        %dma_start3A_185 = tpu.memref_squeeze %dma_start3A_184 : memref<1x128xi32, #tpu.memory_space<vmem>> -> memref<128xi32, #tpu.memory_space<vmem>>
        %dma_start3A_186 = arith.constant 0 : i32
        %dma_start3A_187 = arith.constant 0 : i32
        %dma_start3A_188 = tpu.memref_slice %arg14[%dma_start3A_186, %dma_start3A_187] : memref<10008x128xf32, #tpu.memory_space<vmem_shared>> -> memref<10008x128xf32, #tpu.memory_space<vmem_shared>>
        tpu.enqueue_indirect_dma source(%arg11 : memref<128x128xf32, #tpu.memory_space<vmem>>) target(%dma_start3A_188 : memref<10008x128xf32, #tpu.memory_space<vmem_shared>>) offsets(%dma_start3A_185 : memref<128xi32, #tpu.memory_space<vmem>>) semaphore(%arg18 : memref<!tpu.dma_semaphore, #tpu.memory_space<semaphore_mem>>) {add = true}
        %dma_start3A_189 = arith.constant 0 : i32
        %dma_start3A_190 = tpu.memref_slice %arg10[%add3A_141, %dma_start3A_189] : memref<40x128xi32, #tpu.memory_space<vmem>> -> memref<1x128xi32, #tpu.memory_space<vmem>>
        %dma_start3A_191 = tpu.memref_squeeze %dma_start3A_190 : memref<1x128xi32, #tpu.memory_space<vmem>> -> memref<128xi32, #tpu.memory_space<vmem>>
        %dma_start3A_192 = arith.constant 0 : i32
        %dma_start3A_193 = tpu.memref_slice %arg15[%dma_start3A_192] : memref<10008xf32, #tpu.memory_space<vmem_shared>> -> memref<10008xf32, #tpu.memory_space<vmem_shared>>
        tpu.enqueue_indirect_dma source(%arg13 : memref<128xf32, #tpu.memory_space<vmem>>) target(%dma_start3A_193 : memref<10008xf32, #tpu.memory_space<vmem_shared>>) offsets(%dma_start3A_191 : memref<128xi32, #tpu.memory_space<vmem>>) semaphore(%arg20 : memref<!tpu.dma_semaphore, #tpu.memory_space<semaphore_mem>>) {add = true}
      } else {
      }
      %lt3A_148 = arith.constant 19 : i32
      %lt3A_149 = arith.cmpi slt, %scan3A_137, %lt3A_148 : i32
      %add3A_150 = arith.constant 2 : i32
      %add3A_151 = arith.addi %add3A_141, %add3A_150 : i32
      %add3A_152 = arith.addi %add3A_59, %add3A_151 : i32
      %lt3A_153 = arith.constant 2500 : i32
      %lt3A_154 = arith.cmpi slt, %add3A_152, %lt3A_153 : i32
      %and3A = arith.andi %lt3A_149, %lt3A_154 : i1
      %convert_element_type3A_155 = arith.extui %and3A : i1 to i32
      %cond3A_156 = arith.constant 0 : i32
      %cond3A_157 = arith.cmpi ne, %convert_element_type3A_155, %cond3A_156 : i32
      scf.if %cond3A_157 {
        %dma_wait3A = arith.constant 0 : i32
        %dma_wait3A_179 = tpu.memref_slice %arg10[%add3A_141, %dma_wait3A] : memref<40x128xi32, #tpu.memory_space<vmem>> -> memref<1x128xi32, #tpu.memory_space<vmem>>
        %dma_wait3A_180 = tpu.memref_squeeze %dma_wait3A_179 : memref<1x128xi32, #tpu.memory_space<vmem>> -> memref<128xi32, #tpu.memory_space<vmem>>
        %dma_wait3A_181 = arith.constant 0 : i32
        %dma_wait3A_182 = arith.constant 0 : i32
        %dma_wait3A_183 = tpu.memref_slice %arg14[%dma_wait3A_181, %dma_wait3A_182] : memref<10008x128xf32, #tpu.memory_space<vmem_shared>> -> memref<10008x128xf32, #tpu.memory_space<vmem_shared>>
        tpu.wait_indirect_dma semaphore(%arg18 : memref<!tpu.dma_semaphore, #tpu.memory_space<semaphore_mem>>) src(%arg11 : memref<128x128xf32, #tpu.memory_space<vmem>>) dst(%dma_wait3A_183 : memref<10008x128xf32, #tpu.memory_space<vmem_shared>>)
        %dma_wait3A_184 = arith.constant 0 : i32
        %dma_wait3A_185 = tpu.memref_slice %arg10[%add3A_141, %dma_wait3A_184] : memref<40x128xi32, #tpu.memory_space<vmem>> -> memref<1x128xi32, #tpu.memory_space<vmem>>
        %dma_wait3A_186 = tpu.memref_squeeze %dma_wait3A_185 : memref<1x128xi32, #tpu.memory_space<vmem>> -> memref<128xi32, #tpu.memory_space<vmem>>
        %dma_wait3A_187 = arith.constant 0 : i32
        %dma_wait3A_188 = tpu.memref_slice %arg15[%dma_wait3A_187] : memref<10008xf32, #tpu.memory_space<vmem_shared>> -> memref<10008xf32, #tpu.memory_space<vmem_shared>>
        tpu.wait_indirect_dma semaphore(%arg20 : memref<!tpu.dma_semaphore, #tpu.memory_space<semaphore_mem>>) src(%arg13 : memref<128xf32, #tpu.memory_space<vmem>>) dst(%dma_wait3A_188 : memref<10008xf32, #tpu.memory_space<vmem_shared>>)
        %add3A_189 = arith.constant 2 : i32
        %add3A_190 = arith.addi %add3A_141, %add3A_189 : i32
        %dma_start3A = arith.constant 0 : i32
        %dma_start3A_191 = tpu.memref_slice %arg9[%add3A_190, %dma_start3A] : memref<40x128xi32, #tpu.memory_space<vmem>> -> memref<1x128xi32, #tpu.memory_space<vmem>>
        %dma_start3A_192 = tpu.memref_squeeze %dma_start3A_191 : memref<1x128xi32, #tpu.memory_space<vmem>> -> memref<128xi32, #tpu.memory_space<vmem>>
        %dma_start3A_193 = arith.constant 0 : i32
        %dma_start3A_194 = arith.constant 0 : i32
        %dma_start3A_195 = tpu.memref_slice %arg2[%dma_start3A_193, %dma_start3A_194] : memref<10000x128xf32, #tpu.memory_space<hbm>> -> memref<10000x128xf32, #tpu.memory_space<hbm>>
        tpu.enqueue_indirect_dma source(%dma_start3A_195 : memref<10000x128xf32, #tpu.memory_space<hbm>>) target(%arg11 : memref<128x128xf32, #tpu.memory_space<vmem>>) offsets(%dma_start3A_192 : memref<128xi32, #tpu.memory_space<vmem>>) semaphore(%arg16 : memref<!tpu.dma_semaphore, #tpu.memory_space<semaphore_mem>>)
      } else {
      }
      %mul3A_158 = arith.constant 2 : i32
      %mul3A_159 = arith.muli %scan3A_137, %mul3A_158 : i32
      %add3A_160 = arith.constant 1 : i32
      %add3A_161 = arith.addi %mul3A_159, %add3A_160 : i32
      %add3A_162 = arith.addi %add3A_59, %add3A_161 : i32
      %lt3A_163 = arith.constant 2500 : i32
      %lt3A_164 = arith.cmpi slt, %add3A_162, %lt3A_163 : i32
      %convert_element_type3A_165 = arith.extui %lt3A_164 : i1 to i32
      %cond3A_166 = arith.constant 0 : i32
      %cond3A_167 = arith.cmpi ne, %convert_element_type3A_165, %cond3A_166 : i32
      scf.if %cond3A_167 {
        %dma_wait3A = arith.constant 0 : i32
        %dma_wait3A_179 = tpu.memref_slice %arg9[%add3A_161, %dma_wait3A] : memref<40x128xi32, #tpu.memory_space<vmem>> -> memref<1x128xi32, #tpu.memory_space<vmem>>
        %dma_wait3A_180 = tpu.memref_squeeze %dma_wait3A_179 : memref<1x128xi32, #tpu.memory_space<vmem>> -> memref<128xi32, #tpu.memory_space<vmem>>
        %dma_wait3A_181 = arith.constant 0 : i32
        %dma_wait3A_182 = arith.constant 0 : i32
        %dma_wait3A_183 = tpu.memref_slice %arg2[%dma_wait3A_181, %dma_wait3A_182] : memref<10000x128xf32, #tpu.memory_space<hbm>> -> memref<10000x128xf32, #tpu.memory_space<hbm>>
        tpu.wait_indirect_dma semaphore(%arg17 : memref<!tpu.dma_semaphore, #tpu.memory_space<semaphore_mem>>) src(%dma_wait3A_183 : memref<10000x128xf32, #tpu.memory_space<hbm>>) dst(%arg12 : memref<128x128xf32, #tpu.memory_space<vmem>>)
        %dma_start3A = arith.constant 0 : i32
        %dma_start3A_184 = tpu.memref_slice %arg10[%add3A_161, %dma_start3A] : memref<40x128xi32, #tpu.memory_space<vmem>> -> memref<1x128xi32, #tpu.memory_space<vmem>>
        %dma_start3A_185 = tpu.memref_squeeze %dma_start3A_184 : memref<1x128xi32, #tpu.memory_space<vmem>> -> memref<128xi32, #tpu.memory_space<vmem>>
        %dma_start3A_186 = arith.constant 0 : i32
        %dma_start3A_187 = arith.constant 0 : i32
        %dma_start3A_188 = tpu.memref_slice %arg14[%dma_start3A_186, %dma_start3A_187] : memref<10008x128xf32, #tpu.memory_space<vmem_shared>> -> memref<10008x128xf32, #tpu.memory_space<vmem_shared>>
        tpu.enqueue_indirect_dma source(%arg12 : memref<128x128xf32, #tpu.memory_space<vmem>>) target(%dma_start3A_188 : memref<10008x128xf32, #tpu.memory_space<vmem_shared>>) offsets(%dma_start3A_185 : memref<128xi32, #tpu.memory_space<vmem>>) semaphore(%arg19 : memref<!tpu.dma_semaphore, #tpu.memory_space<semaphore_mem>>) {add = true}
        %dma_start3A_189 = arith.constant 0 : i32
        %dma_start3A_190 = tpu.memref_slice %arg10[%add3A_161, %dma_start3A_189] : memref<40x128xi32, #tpu.memory_space<vmem>> -> memref<1x128xi32, #tpu.memory_space<vmem>>
        %dma_start3A_191 = tpu.memref_squeeze %dma_start3A_190 : memref<1x128xi32, #tpu.memory_space<vmem>> -> memref<128xi32, #tpu.memory_space<vmem>>
        %dma_start3A_192 = arith.constant 0 : i32
        %dma_start3A_193 = tpu.memref_slice %arg15[%dma_start3A_192] : memref<10008xf32, #tpu.memory_space<vmem_shared>> -> memref<10008xf32, #tpu.memory_space<vmem_shared>>
        tpu.enqueue_indirect_dma source(%arg13 : memref<128xf32, #tpu.memory_space<vmem>>) target(%dma_start3A_193 : memref<10008xf32, #tpu.memory_space<vmem_shared>>) offsets(%dma_start3A_191 : memref<128xi32, #tpu.memory_space<vmem>>) semaphore(%arg21 : memref<!tpu.dma_semaphore, #tpu.memory_space<semaphore_mem>>) {add = true}
      } else {
      }
      %lt3A_168 = arith.constant 19 : i32
      %lt3A_169 = arith.cmpi slt, %scan3A_137, %lt3A_168 : i32
      %add3A_170 = arith.constant 2 : i32
      %add3A_171 = arith.addi %add3A_161, %add3A_170 : i32
      %add3A_172 = arith.addi %add3A_59, %add3A_171 : i32
      %lt3A_173 = arith.constant 2500 : i32
      %lt3A_174 = arith.cmpi slt, %add3A_172, %lt3A_173 : i32
      %and3A_175 = arith.andi %lt3A_169, %lt3A_174 : i1
      %convert_element_type3A_176 = arith.extui %and3A_175 : i1 to i32
      %cond3A_177 = arith.constant 0 : i32
      %cond3A_178 = arith.cmpi ne, %convert_element_type3A_176, %cond3A_177 : i32
      scf.if %cond3A_178 {
        %dma_wait3A = arith.constant 0 : i32
        %dma_wait3A_179 = tpu.memref_slice %arg10[%add3A_161, %dma_wait3A] : memref<40x128xi32, #tpu.memory_space<vmem>> -> memref<1x128xi32, #tpu.memory_space<vmem>>
        %dma_wait3A_180 = tpu.memref_squeeze %dma_wait3A_179 : memref<1x128xi32, #tpu.memory_space<vmem>> -> memref<128xi32, #tpu.memory_space<vmem>>
        %dma_wait3A_181 = arith.constant 0 : i32
        %dma_wait3A_182 = arith.constant 0 : i32
        %dma_wait3A_183 = tpu.memref_slice %arg14[%dma_wait3A_181, %dma_wait3A_182] : memref<10008x128xf32, #tpu.memory_space<vmem_shared>> -> memref<10008x128xf32, #tpu.memory_space<vmem_shared>>
        tpu.wait_indirect_dma semaphore(%arg19 : memref<!tpu.dma_semaphore, #tpu.memory_space<semaphore_mem>>) src(%arg12 : memref<128x128xf32, #tpu.memory_space<vmem>>) dst(%dma_wait3A_183 : memref<10008x128xf32, #tpu.memory_space<vmem_shared>>)
        %dma_wait3A_184 = arith.constant 0 : i32
        %dma_wait3A_185 = tpu.memref_slice %arg10[%add3A_161, %dma_wait3A_184] : memref<40x128xi32, #tpu.memory_space<vmem>> -> memref<1x128xi32, #tpu.memory_space<vmem>>
        %dma_wait3A_186 = tpu.memref_squeeze %dma_wait3A_185 : memref<1x128xi32, #tpu.memory_space<vmem>> -> memref<128xi32, #tpu.memory_space<vmem>>
        %dma_wait3A_187 = arith.constant 0 : i32
        %dma_wait3A_188 = tpu.memref_slice %arg15[%dma_wait3A_187] : memref<10008xf32, #tpu.memory_space<vmem_shared>> -> memref<10008xf32, #tpu.memory_space<vmem_shared>>
        tpu.wait_indirect_dma semaphore(%arg21 : memref<!tpu.dma_semaphore, #tpu.memory_space<semaphore_mem>>) src(%arg13 : memref<128xf32, #tpu.memory_space<vmem>>) dst(%dma_wait3A_188 : memref<10008xf32, #tpu.memory_space<vmem_shared>>)
        %add3A_189 = arith.constant 2 : i32
        %add3A_190 = arith.addi %add3A_161, %add3A_189 : i32
        %dma_start3A = arith.constant 0 : i32
        %dma_start3A_191 = tpu.memref_slice %arg9[%add3A_190, %dma_start3A] : memref<40x128xi32, #tpu.memory_space<vmem>> -> memref<1x128xi32, #tpu.memory_space<vmem>>
        %dma_start3A_192 = tpu.memref_squeeze %dma_start3A_191 : memref<1x128xi32, #tpu.memory_space<vmem>> -> memref<128xi32, #tpu.memory_space<vmem>>
        %dma_start3A_193 = arith.constant 0 : i32
        %dma_start3A_194 = arith.constant 0 : i32
        %dma_start3A_195 = tpu.memref_slice %arg2[%dma_start3A_193, %dma_start3A_194] : memref<10000x128xf32, #tpu.memory_space<hbm>> -> memref<10000x128xf32, #tpu.memory_space<hbm>>
        tpu.enqueue_indirect_dma source(%dma_start3A_195 : memref<10000x128xf32, #tpu.memory_space<hbm>>) target(%arg12 : memref<128x128xf32, #tpu.memory_space<vmem>>) offsets(%dma_start3A_192 : memref<128xi32, #tpu.memory_space<vmem>>) semaphore(%arg17 : memref<!tpu.dma_semaphore, #tpu.memory_space<semaphore_mem>>)
      } else {
      }
    }
    %scan3A_76 = arith.constant 20 : i32
    %add3A_77 = arith.constant 38 : i32
    %add3A_78 = arith.addi %add3A_59, %add3A_77 : i32
    %lt3A_79 = arith.constant 2500 : i32
    %lt3A_80 = arith.cmpi slt, %add3A_78, %lt3A_79 : i32
    %convert_element_type3A_81 = arith.extui %lt3A_80 : i1 to i32
    %cond3A_82 = arith.constant 0 : i32
    %cond3A_83 = arith.cmpi ne, %convert_element_type3A_81, %cond3A_82 : i32
    scf.if %cond3A_83 {
      %dma_wait3A = arith.constant 38 : i32
      %dma_wait3A_137 = arith.constant 0 : i32
      %dma_wait3A_138 = tpu.memref_slice %arg10[%dma_wait3A, %dma_wait3A_137] : memref<40x128xi32, #tpu.memory_space<vmem>> -> memref<1x128xi32, #tpu.memory_space<vmem>>
      %dma_wait3A_139 = tpu.memref_squeeze %dma_wait3A_138 : memref<1x128xi32, #tpu.memory_space<vmem>> -> memref<128xi32, #tpu.memory_space<vmem>>
      %dma_wait3A_140 = arith.constant 0 : i32
      %dma_wait3A_141 = arith.constant 0 : i32
      %dma_wait3A_142 = tpu.memref_slice %arg14[%dma_wait3A_140, %dma_wait3A_141] : memref<10008x128xf32, #tpu.memory_space<vmem_shared>> -> memref<10008x128xf32, #tpu.memory_space<vmem_shared>>
      tpu.wait_indirect_dma semaphore(%arg18 : memref<!tpu.dma_semaphore, #tpu.memory_space<semaphore_mem>>) src(%arg11 : memref<128x128xf32, #tpu.memory_space<vmem>>) dst(%dma_wait3A_142 : memref<10008x128xf32, #tpu.memory_space<vmem_shared>>)
      %dma_wait3A_143 = arith.constant 38 : i32
      %dma_wait3A_144 = arith.constant 0 : i32
      %dma_wait3A_145 = tpu.memref_slice %arg10[%dma_wait3A_143, %dma_wait3A_144] : memref<40x128xi32, #tpu.memory_space<vmem>> -> memref<1x128xi32, #tpu.memory_space<vmem>>
      %dma_wait3A_146 = tpu.memref_squeeze %dma_wait3A_145 : memref<1x128xi32, #tpu.memory_space<vmem>> -> memref<128xi32, #tpu.memory_space<vmem>>
      %dma_wait3A_147 = arith.constant 0 : i32
      %dma_wait3A_148 = tpu.memref_slice %arg15[%dma_wait3A_147] : memref<10008xf32, #tpu.memory_space<vmem_shared>> -> memref<10008xf32, #tpu.memory_space<vmem_shared>>
      tpu.wait_indirect_dma semaphore(%arg20 : memref<!tpu.dma_semaphore, #tpu.memory_space<semaphore_mem>>) src(%arg13 : memref<128xf32, #tpu.memory_space<vmem>>) dst(%dma_wait3A_148 : memref<10008xf32, #tpu.memory_space<vmem_shared>>)
    } else {
    }
    %add3A_84 = arith.constant 39 : i32
    %add3A_85 = arith.addi %add3A_59, %add3A_84 : i32
    %lt3A_86 = arith.constant 2500 : i32
    %lt3A_87 = arith.cmpi slt, %add3A_85, %lt3A_86 : i32
    %convert_element_type3A_88 = arith.extui %lt3A_87 : i1 to i32
    %cond3A_89 = arith.constant 0 : i32
    %cond3A_90 = arith.cmpi ne, %convert_element_type3A_88, %cond3A_89 : i32
    scf.if %cond3A_90 {
      %dma_wait3A = arith.constant 39 : i32
      %dma_wait3A_137 = arith.constant 0 : i32
      %dma_wait3A_138 = tpu.memref_slice %arg10[%dma_wait3A, %dma_wait3A_137] : memref<40x128xi32, #tpu.memory_space<vmem>> -> memref<1x128xi32, #tpu.memory_space<vmem>>
      %dma_wait3A_139 = tpu.memref_squeeze %dma_wait3A_138 : memref<1x128xi32, #tpu.memory_space<vmem>> -> memref<128xi32, #tpu.memory_space<vmem>>
      %dma_wait3A_140 = arith.constant 0 : i32
      %dma_wait3A_141 = arith.constant 0 : i32
      %dma_wait3A_142 = tpu.memref_slice %arg14[%dma_wait3A_140, %dma_wait3A_141] : memref<10008x128xf32, #tpu.memory_space<vmem_shared>> -> memref<10008x128xf32, #tpu.memory_space<vmem_shared>>
      tpu.wait_indirect_dma semaphore(%arg19 : memref<!tpu.dma_semaphore, #tpu.memory_space<semaphore_mem>>) src(%arg12 : memref<128x128xf32, #tpu.memory_space<vmem>>) dst(%dma_wait3A_142 : memref<10008x128xf32, #tpu.memory_space<vmem_shared>>)
      %dma_wait3A_143 = arith.constant 39 : i32
      %dma_wait3A_144 = arith.constant 0 : i32
      %dma_wait3A_145 = tpu.memref_slice %arg10[%dma_wait3A_143, %dma_wait3A_144] : memref<40x128xi32, #tpu.memory_space<vmem>> -> memref<1x128xi32, #tpu.memory_space<vmem>>
      %dma_wait3A_146 = tpu.memref_squeeze %dma_wait3A_145 : memref<1x128xi32, #tpu.memory_space<vmem>> -> memref<128xi32, #tpu.memory_space<vmem>>
      %dma_wait3A_147 = arith.constant 0 : i32
      %dma_wait3A_148 = tpu.memref_slice %arg15[%dma_wait3A_147] : memref<10008xf32, #tpu.memory_space<vmem_shared>> -> memref<10008xf32, #tpu.memory_space<vmem_shared>>
      tpu.wait_indirect_dma semaphore(%arg21 : memref<!tpu.dma_semaphore, #tpu.memory_space<semaphore_mem>>) src(%arg13 : memref<128xf32, #tpu.memory_space<vmem>>) dst(%dma_wait3A_148 : memref<10008xf32, #tpu.memory_space<vmem_shared>>)
    } else {
    }
    %add3A_91 = arith.constant 40 : i32
    %add3A_92 = arith.addi %mul3A_2, %add3A_91 : i32
    "tpu.region"() ({
      %run_scoped3A = tpu.sem_alloc : memref<!tpu.dma_semaphore, #tpu.memory_space<semaphore_mem>>
      %dma_start3A = arith.constant 0 : i32
      %dma_start3A_137 = tpu.memref_slice %arg3[%add3A_92, %dma_start3A] : memref<2560x128xi32, #tpu.memory_space<hbm>> -> memref<40x128xi32, #tpu.memory_space<hbm>>
      %dma_start3A_138 = arith.constant 0 : i32
      %dma_start3A_139 = tpu.memref_slice %arg3[%add3A_92, %dma_start3A_138] : memref<2560x128xi32, #tpu.memory_space<hbm>> -> memref<40x128xi32, #tpu.memory_space<hbm>>
      tpu.enqueue_dma source(%dma_start3A_139 : memref<40x128xi32, #tpu.memory_space<hbm>>) target(%arg9 : memref<40x128xi32, #tpu.memory_space<vmem>>) target_semaphore(%run_scoped3A : memref<!tpu.dma_semaphore, #tpu.memory_space<semaphore_mem>>)
      %dma_wait3A = arith.constant 0 : i32
      %dma_wait3A_140 = tpu.memref_slice %arg3[%add3A_92, %dma_wait3A] : memref<2560x128xi32, #tpu.memory_space<hbm>> -> memref<40x128xi32, #tpu.memory_space<hbm>>
      %dma_wait3A_141 = arith.constant 0 : i32
      %dma_wait3A_142 = tpu.memref_slice %arg3[%add3A_92, %dma_wait3A_141] : memref<2560x128xi32, #tpu.memory_space<hbm>> -> memref<40x128xi32, #tpu.memory_space<hbm>>
      tpu.wait_dma2 semaphore(%run_scoped3A : memref<!tpu.dma_semaphore, #tpu.memory_space<semaphore_mem>>) src(%dma_wait3A_142 : memref<40x128xi32, #tpu.memory_space<hbm>>) dst(%arg9 : memref<40x128xi32, #tpu.memory_space<vmem>>)
      tpu.yield
    }) : () -> ()
    "tpu.region"() ({
      %run_scoped3A = tpu.sem_alloc : memref<!tpu.dma_semaphore, #tpu.memory_space<semaphore_mem>>
      %dma_start3A = arith.constant 0 : i32
      %dma_start3A_137 = tpu.memref_slice %arg4[%add3A_92, %dma_start3A] : memref<2560x128xi32, #tpu.memory_space<hbm>> -> memref<40x128xi32, #tpu.memory_space<hbm>>
      %dma_start3A_138 = arith.constant 0 : i32
      %dma_start3A_139 = tpu.memref_slice %arg4[%add3A_92, %dma_start3A_138] : memref<2560x128xi32, #tpu.memory_space<hbm>> -> memref<40x128xi32, #tpu.memory_space<hbm>>
      tpu.enqueue_dma source(%dma_start3A_139 : memref<40x128xi32, #tpu.memory_space<hbm>>) target(%arg10 : memref<40x128xi32, #tpu.memory_space<vmem>>) target_semaphore(%run_scoped3A : memref<!tpu.dma_semaphore, #tpu.memory_space<semaphore_mem>>)
      %dma_wait3A = arith.constant 0 : i32
      %dma_wait3A_140 = tpu.memref_slice %arg4[%add3A_92, %dma_wait3A] : memref<2560x128xi32, #tpu.memory_space<hbm>> -> memref<40x128xi32, #tpu.memory_space<hbm>>
      %dma_wait3A_141 = arith.constant 0 : i32
      %dma_wait3A_142 = tpu.memref_slice %arg4[%add3A_92, %dma_wait3A_141] : memref<2560x128xi32, #tpu.memory_space<hbm>> -> memref<40x128xi32, #tpu.memory_space<hbm>>
      tpu.wait_dma2 semaphore(%run_scoped3A : memref<!tpu.dma_semaphore, #tpu.memory_space<semaphore_mem>>) src(%dma_wait3A_142 : memref<40x128xi32, #tpu.memory_space<hbm>>) dst(%arg10 : memref<40x128xi32, #tpu.memory_space<vmem>>)
      tpu.yield
    }) : () -> ()
    %add3A_93 = arith.constant 0 : i32
    %add3A_94 = arith.addi %add3A_92, %add3A_93 : i32
    %lt3A_95 = arith.constant 2500 : i32
    %lt3A_96 = arith.cmpi slt, %add3A_94, %lt3A_95 : i32
    %convert_element_type3A_97 = arith.extui %lt3A_96 : i1 to i32
    %cond3A_98 = arith.constant 0 : i32
    %cond3A_99 = arith.cmpi ne, %convert_element_type3A_97, %cond3A_98 : i32
    scf.if %cond3A_99 {
      %dma_start3A = arith.constant 0 : i32
      %dma_start3A_137 = arith.constant 0 : i32
      %dma_start3A_138 = tpu.memref_slice %arg9[%dma_start3A, %dma_start3A_137] : memref<40x128xi32, #tpu.memory_space<vmem>> -> memref<1x128xi32, #tpu.memory_space<vmem>>
      %dma_start3A_139 = tpu.memref_squeeze %dma_start3A_138 : memref<1x128xi32, #tpu.memory_space<vmem>> -> memref<128xi32, #tpu.memory_space<vmem>>
      %dma_start3A_140 = arith.constant 0 : i32
      %dma_start3A_141 = arith.constant 0 : i32
      %dma_start3A_142 = tpu.memref_slice %arg2[%dma_start3A_140, %dma_start3A_141] : memref<10000x128xf32, #tpu.memory_space<hbm>> -> memref<10000x128xf32, #tpu.memory_space<hbm>>
      tpu.enqueue_indirect_dma source(%dma_start3A_142 : memref<10000x128xf32, #tpu.memory_space<hbm>>) target(%arg11 : memref<128x128xf32, #tpu.memory_space<vmem>>) offsets(%dma_start3A_139 : memref<128xi32, #tpu.memory_space<vmem>>) semaphore(%arg16 : memref<!tpu.dma_semaphore, #tpu.memory_space<semaphore_mem>>)
    } else {
    }
    %add3A_100 = arith.constant 1 : i32
    %add3A_101 = arith.addi %add3A_92, %add3A_100 : i32
    %lt3A_102 = arith.constant 2500 : i32
    %lt3A_103 = arith.cmpi slt, %add3A_101, %lt3A_102 : i32
    %convert_element_type3A_104 = arith.extui %lt3A_103 : i1 to i32
    %cond3A_105 = arith.constant 0 : i32
    %cond3A_106 = arith.cmpi ne, %convert_element_type3A_104, %cond3A_105 : i32
    scf.if %cond3A_106 {
      %dma_start3A = arith.constant 1 : i32
      %dma_start3A_137 = arith.constant 0 : i32
      %dma_start3A_138 = tpu.memref_slice %arg9[%dma_start3A, %dma_start3A_137] : memref<40x128xi32, #tpu.memory_space<vmem>> -> memref<1x128xi32, #tpu.memory_space<vmem>>
      %dma_start3A_139 = tpu.memref_squeeze %dma_start3A_138 : memref<1x128xi32, #tpu.memory_space<vmem>> -> memref<128xi32, #tpu.memory_space<vmem>>
      %dma_start3A_140 = arith.constant 0 : i32
      %dma_start3A_141 = arith.constant 0 : i32
      %dma_start3A_142 = tpu.memref_slice %arg2[%dma_start3A_140, %dma_start3A_141] : memref<10000x128xf32, #tpu.memory_space<hbm>> -> memref<10000x128xf32, #tpu.memory_space<hbm>>
      tpu.enqueue_indirect_dma source(%dma_start3A_142 : memref<10000x128xf32, #tpu.memory_space<hbm>>) target(%arg12 : memref<128x128xf32, #tpu.memory_space<vmem>>) offsets(%dma_start3A_139 : memref<128xi32, #tpu.memory_space<vmem>>) semaphore(%arg17 : memref<!tpu.dma_semaphore, #tpu.memory_space<semaphore_mem>>)
    } else {
    }
    %scan3A_107 = arith.constant 0 : i32
    %scan3A_108 = arith.constant 20 : i32
    %scan3A_109 = arith.addi %scan3A_107, %scan3A_108 : i32
    %scan3A_110 = arith.constant 1 : i32
    scf.for %scan3A_137 = %scan3A_107 to %scan3A_109 step %scan3A_110  : i32 {
      %mul3A_138 = arith.constant 2 : i32
      %mul3A_139 = arith.muli %scan3A_137, %mul3A_138 : i32
      %add3A_140 = arith.constant 0 : i32
      %add3A_141 = arith.addi %mul3A_139, %add3A_140 : i32
      %add3A_142 = arith.addi %add3A_92, %add3A_141 : i32
      %lt3A_143 = arith.constant 2500 : i32
      %lt3A_144 = arith.cmpi slt, %add3A_142, %lt3A_143 : i32
      %convert_element_type3A_145 = arith.extui %lt3A_144 : i1 to i32
      %cond3A_146 = arith.constant 0 : i32
      %cond3A_147 = arith.cmpi ne, %convert_element_type3A_145, %cond3A_146 : i32
      scf.if %cond3A_147 {
        %dma_wait3A = arith.constant 0 : i32
        %dma_wait3A_179 = tpu.memref_slice %arg9[%add3A_141, %dma_wait3A] : memref<40x128xi32, #tpu.memory_space<vmem>> -> memref<1x128xi32, #tpu.memory_space<vmem>>
        %dma_wait3A_180 = tpu.memref_squeeze %dma_wait3A_179 : memref<1x128xi32, #tpu.memory_space<vmem>> -> memref<128xi32, #tpu.memory_space<vmem>>
        %dma_wait3A_181 = arith.constant 0 : i32
        %dma_wait3A_182 = arith.constant 0 : i32
        %dma_wait3A_183 = tpu.memref_slice %arg2[%dma_wait3A_181, %dma_wait3A_182] : memref<10000x128xf32, #tpu.memory_space<hbm>> -> memref<10000x128xf32, #tpu.memory_space<hbm>>
        tpu.wait_indirect_dma semaphore(%arg16 : memref<!tpu.dma_semaphore, #tpu.memory_space<semaphore_mem>>) src(%dma_wait3A_183 : memref<10000x128xf32, #tpu.memory_space<hbm>>) dst(%arg11 : memref<128x128xf32, #tpu.memory_space<vmem>>)
        %dma_start3A = arith.constant 0 : i32
        %dma_start3A_184 = tpu.memref_slice %arg10[%add3A_141, %dma_start3A] : memref<40x128xi32, #tpu.memory_space<vmem>> -> memref<1x128xi32, #tpu.memory_space<vmem>>
        %dma_start3A_185 = tpu.memref_squeeze %dma_start3A_184 : memref<1x128xi32, #tpu.memory_space<vmem>> -> memref<128xi32, #tpu.memory_space<vmem>>
        %dma_start3A_186 = arith.constant 0 : i32
        %dma_start3A_187 = arith.constant 0 : i32
        %dma_start3A_188 = tpu.memref_slice %arg14[%dma_start3A_186, %dma_start3A_187] : memref<10008x128xf32, #tpu.memory_space<vmem_shared>> -> memref<10008x128xf32, #tpu.memory_space<vmem_shared>>
        tpu.enqueue_indirect_dma source(%arg11 : memref<128x128xf32, #tpu.memory_space<vmem>>) target(%dma_start3A_188 : memref<10008x128xf32, #tpu.memory_space<vmem_shared>>) offsets(%dma_start3A_185 : memref<128xi32, #tpu.memory_space<vmem>>) semaphore(%arg18 : memref<!tpu.dma_semaphore, #tpu.memory_space<semaphore_mem>>) {add = true}
        %dma_start3A_189 = arith.constant 0 : i32
        %dma_start3A_190 = tpu.memref_slice %arg10[%add3A_141, %dma_start3A_189] : memref<40x128xi32, #tpu.memory_space<vmem>> -> memref<1x128xi32, #tpu.memory_space<vmem>>
        %dma_start3A_191 = tpu.memref_squeeze %dma_start3A_190 : memref<1x128xi32, #tpu.memory_space<vmem>> -> memref<128xi32, #tpu.memory_space<vmem>>
        %dma_start3A_192 = arith.constant 0 : i32
        %dma_start3A_193 = tpu.memref_slice %arg15[%dma_start3A_192] : memref<10008xf32, #tpu.memory_space<vmem_shared>> -> memref<10008xf32, #tpu.memory_space<vmem_shared>>
        tpu.enqueue_indirect_dma source(%arg13 : memref<128xf32, #tpu.memory_space<vmem>>) target(%dma_start3A_193 : memref<10008xf32, #tpu.memory_space<vmem_shared>>) offsets(%dma_start3A_191 : memref<128xi32, #tpu.memory_space<vmem>>) semaphore(%arg20 : memref<!tpu.dma_semaphore, #tpu.memory_space<semaphore_mem>>) {add = true}
      } else {
      }
      %lt3A_148 = arith.constant 19 : i32
      %lt3A_149 = arith.cmpi slt, %scan3A_137, %lt3A_148 : i32
      %add3A_150 = arith.constant 2 : i32
      %add3A_151 = arith.addi %add3A_141, %add3A_150 : i32
      %add3A_152 = arith.addi %add3A_92, %add3A_151 : i32
      %lt3A_153 = arith.constant 2500 : i32
      %lt3A_154 = arith.cmpi slt, %add3A_152, %lt3A_153 : i32
      %and3A = arith.andi %lt3A_149, %lt3A_154 : i1
      %convert_element_type3A_155 = arith.extui %and3A : i1 to i32
      %cond3A_156 = arith.constant 0 : i32
      %cond3A_157 = arith.cmpi ne, %convert_element_type3A_155, %cond3A_156 : i32
      scf.if %cond3A_157 {
        %dma_wait3A = arith.constant 0 : i32
        %dma_wait3A_179 = tpu.memref_slice %arg10[%add3A_141, %dma_wait3A] : memref<40x128xi32, #tpu.memory_space<vmem>> -> memref<1x128xi32, #tpu.memory_space<vmem>>
        %dma_wait3A_180 = tpu.memref_squeeze %dma_wait3A_179 : memref<1x128xi32, #tpu.memory_space<vmem>> -> memref<128xi32, #tpu.memory_space<vmem>>
        %dma_wait3A_181 = arith.constant 0 : i32
        %dma_wait3A_182 = arith.constant 0 : i32
        %dma_wait3A_183 = tpu.memref_slice %arg14[%dma_wait3A_181, %dma_wait3A_182] : memref<10008x128xf32, #tpu.memory_space<vmem_shared>> -> memref<10008x128xf32, #tpu.memory_space<vmem_shared>>
        tpu.wait_indirect_dma semaphore(%arg18 : memref<!tpu.dma_semaphore, #tpu.memory_space<semaphore_mem>>) src(%arg11 : memref<128x128xf32, #tpu.memory_space<vmem>>) dst(%dma_wait3A_183 : memref<10008x128xf32, #tpu.memory_space<vmem_shared>>)
        %dma_wait3A_184 = arith.constant 0 : i32
        %dma_wait3A_185 = tpu.memref_slice %arg10[%add3A_141, %dma_wait3A_184] : memref<40x128xi32, #tpu.memory_space<vmem>> -> memref<1x128xi32, #tpu.memory_space<vmem>>
        %dma_wait3A_186 = tpu.memref_squeeze %dma_wait3A_185 : memref<1x128xi32, #tpu.memory_space<vmem>> -> memref<128xi32, #tpu.memory_space<vmem>>
        %dma_wait3A_187 = arith.constant 0 : i32
        %dma_wait3A_188 = tpu.memref_slice %arg15[%dma_wait3A_187] : memref<10008xf32, #tpu.memory_space<vmem_shared>> -> memref<10008xf32, #tpu.memory_space<vmem_shared>>
        tpu.wait_indirect_dma semaphore(%arg20 : memref<!tpu.dma_semaphore, #tpu.memory_space<semaphore_mem>>) src(%arg13 : memref<128xf32, #tpu.memory_space<vmem>>) dst(%dma_wait3A_188 : memref<10008xf32, #tpu.memory_space<vmem_shared>>)
        %add3A_189 = arith.constant 2 : i32
        %add3A_190 = arith.addi %add3A_141, %add3A_189 : i32
        %dma_start3A = arith.constant 0 : i32
        %dma_start3A_191 = tpu.memref_slice %arg9[%add3A_190, %dma_start3A] : memref<40x128xi32, #tpu.memory_space<vmem>> -> memref<1x128xi32, #tpu.memory_space<vmem>>
        %dma_start3A_192 = tpu.memref_squeeze %dma_start3A_191 : memref<1x128xi32, #tpu.memory_space<vmem>> -> memref<128xi32, #tpu.memory_space<vmem>>
        %dma_start3A_193 = arith.constant 0 : i32
        %dma_start3A_194 = arith.constant 0 : i32
        %dma_start3A_195 = tpu.memref_slice %arg2[%dma_start3A_193, %dma_start3A_194] : memref<10000x128xf32, #tpu.memory_space<hbm>> -> memref<10000x128xf32, #tpu.memory_space<hbm>>
        tpu.enqueue_indirect_dma source(%dma_start3A_195 : memref<10000x128xf32, #tpu.memory_space<hbm>>) target(%arg11 : memref<128x128xf32, #tpu.memory_space<vmem>>) offsets(%dma_start3A_192 : memref<128xi32, #tpu.memory_space<vmem>>) semaphore(%arg16 : memref<!tpu.dma_semaphore, #tpu.memory_space<semaphore_mem>>)
      } else {
      }
      %mul3A_158 = arith.constant 2 : i32
      %mul3A_159 = arith.muli %scan3A_137, %mul3A_158 : i32
      %add3A_160 = arith.constant 1 : i32
      %add3A_161 = arith.addi %mul3A_159, %add3A_160 : i32
      %add3A_162 = arith.addi %add3A_92, %add3A_161 : i32
      %lt3A_163 = arith.constant 2500 : i32
      %lt3A_164 = arith.cmpi slt, %add3A_162, %lt3A_163 : i32
      %convert_element_type3A_165 = arith.extui %lt3A_164 : i1 to i32
      %cond3A_166 = arith.constant 0 : i32
      %cond3A_167 = arith.cmpi ne, %convert_element_type3A_165, %cond3A_166 : i32
      scf.if %cond3A_167 {
        %dma_wait3A = arith.constant 0 : i32
        %dma_wait3A_179 = tpu.memref_slice %arg9[%add3A_161, %dma_wait3A] : memref<40x128xi32, #tpu.memory_space<vmem>> -> memref<1x128xi32, #tpu.memory_space<vmem>>
        %dma_wait3A_180 = tpu.memref_squeeze %dma_wait3A_179 : memref<1x128xi32, #tpu.memory_space<vmem>> -> memref<128xi32, #tpu.memory_space<vmem>>
        %dma_wait3A_181 = arith.constant 0 : i32
        %dma_wait3A_182 = arith.constant 0 : i32
        %dma_wait3A_183 = tpu.memref_slice %arg2[%dma_wait3A_181, %dma_wait3A_182] : memref<10000x128xf32, #tpu.memory_space<hbm>> -> memref<10000x128xf32, #tpu.memory_space<hbm>>
        tpu.wait_indirect_dma semaphore(%arg17 : memref<!tpu.dma_semaphore, #tpu.memory_space<semaphore_mem>>) src(%dma_wait3A_183 : memref<10000x128xf32, #tpu.memory_space<hbm>>) dst(%arg12 : memref<128x128xf32, #tpu.memory_space<vmem>>)
        %dma_start3A = arith.constant 0 : i32
        %dma_start3A_184 = tpu.memref_slice %arg10[%add3A_161, %dma_start3A] : memref<40x128xi32, #tpu.memory_space<vmem>> -> memref<1x128xi32, #tpu.memory_space<vmem>>
        %dma_start3A_185 = tpu.memref_squeeze %dma_start3A_184 : memref<1x128xi32, #tpu.memory_space<vmem>> -> memref<128xi32, #tpu.memory_space<vmem>>
        %dma_start3A_186 = arith.constant 0 : i32
        %dma_start3A_187 = arith.constant 0 : i32
        %dma_start3A_188 = tpu.memref_slice %arg14[%dma_start3A_186, %dma_start3A_187] : memref<10008x128xf32, #tpu.memory_space<vmem_shared>> -> memref<10008x128xf32, #tpu.memory_space<vmem_shared>>
        tpu.enqueue_indirect_dma source(%arg12 : memref<128x128xf32, #tpu.memory_space<vmem>>) target(%dma_start3A_188 : memref<10008x128xf32, #tpu.memory_space<vmem_shared>>) offsets(%dma_start3A_185 : memref<128xi32, #tpu.memory_space<vmem>>) semaphore(%arg19 : memref<!tpu.dma_semaphore, #tpu.memory_space<semaphore_mem>>) {add = true}
        %dma_start3A_189 = arith.constant 0 : i32
        %dma_start3A_190 = tpu.memref_slice %arg10[%add3A_161, %dma_start3A_189] : memref<40x128xi32, #tpu.memory_space<vmem>> -> memref<1x128xi32, #tpu.memory_space<vmem>>
        %dma_start3A_191 = tpu.memref_squeeze %dma_start3A_190 : memref<1x128xi32, #tpu.memory_space<vmem>> -> memref<128xi32, #tpu.memory_space<vmem>>
        %dma_start3A_192 = arith.constant 0 : i32
        %dma_start3A_193 = tpu.memref_slice %arg15[%dma_start3A_192] : memref<10008xf32, #tpu.memory_space<vmem_shared>> -> memref<10008xf32, #tpu.memory_space<vmem_shared>>
        tpu.enqueue_indirect_dma source(%arg13 : memref<128xf32, #tpu.memory_space<vmem>>) target(%dma_start3A_193 : memref<10008xf32, #tpu.memory_space<vmem_shared>>) offsets(%dma_start3A_191 : memref<128xi32, #tpu.memory_space<vmem>>) semaphore(%arg21 : memref<!tpu.dma_semaphore, #tpu.memory_space<semaphore_mem>>) {add = true}
      } else {
      }
      %lt3A_168 = arith.constant 19 : i32
      %lt3A_169 = arith.cmpi slt, %scan3A_137, %lt3A_168 : i32
      %add3A_170 = arith.constant 2 : i32
      %add3A_171 = arith.addi %add3A_161, %add3A_170 : i32
      %add3A_172 = arith.addi %add3A_92, %add3A_171 : i32
      %lt3A_173 = arith.constant 2500 : i32
      %lt3A_174 = arith.cmpi slt, %add3A_172, %lt3A_173 : i32
      %and3A_175 = arith.andi %lt3A_169, %lt3A_174 : i1
      %convert_element_type3A_176 = arith.extui %and3A_175 : i1 to i32
      %cond3A_177 = arith.constant 0 : i32
      %cond3A_178 = arith.cmpi ne, %convert_element_type3A_176, %cond3A_177 : i32
      scf.if %cond3A_178 {
        %dma_wait3A = arith.constant 0 : i32
        %dma_wait3A_179 = tpu.memref_slice %arg10[%add3A_161, %dma_wait3A] : memref<40x128xi32, #tpu.memory_space<vmem>> -> memref<1x128xi32, #tpu.memory_space<vmem>>
        %dma_wait3A_180 = tpu.memref_squeeze %dma_wait3A_179 : memref<1x128xi32, #tpu.memory_space<vmem>> -> memref<128xi32, #tpu.memory_space<vmem>>
        %dma_wait3A_181 = arith.constant 0 : i32
        %dma_wait3A_182 = arith.constant 0 : i32
        %dma_wait3A_183 = tpu.memref_slice %arg14[%dma_wait3A_181, %dma_wait3A_182] : memref<10008x128xf32, #tpu.memory_space<vmem_shared>> -> memref<10008x128xf32, #tpu.memory_space<vmem_shared>>
        tpu.wait_indirect_dma semaphore(%arg19 : memref<!tpu.dma_semaphore, #tpu.memory_space<semaphore_mem>>) src(%arg12 : memref<128x128xf32, #tpu.memory_space<vmem>>) dst(%dma_wait3A_183 : memref<10008x128xf32, #tpu.memory_space<vmem_shared>>)
        %dma_wait3A_184 = arith.constant 0 : i32
        %dma_wait3A_185 = tpu.memref_slice %arg10[%add3A_161, %dma_wait3A_184] : memref<40x128xi32, #tpu.memory_space<vmem>> -> memref<1x128xi32, #tpu.memory_space<vmem>>
        %dma_wait3A_186 = tpu.memref_squeeze %dma_wait3A_185 : memref<1x128xi32, #tpu.memory_space<vmem>> -> memref<128xi32, #tpu.memory_space<vmem>>
        %dma_wait3A_187 = arith.constant 0 : i32
        %dma_wait3A_188 = tpu.memref_slice %arg15[%dma_wait3A_187] : memref<10008xf32, #tpu.memory_space<vmem_shared>> -> memref<10008xf32, #tpu.memory_space<vmem_shared>>
        tpu.wait_indirect_dma semaphore(%arg21 : memref<!tpu.dma_semaphore, #tpu.memory_space<semaphore_mem>>) src(%arg13 : memref<128xf32, #tpu.memory_space<vmem>>) dst(%dma_wait3A_188 : memref<10008xf32, #tpu.memory_space<vmem_shared>>)
        %add3A_189 = arith.constant 2 : i32
        %add3A_190 = arith.addi %add3A_161, %add3A_189 : i32
        %dma_start3A = arith.constant 0 : i32
        %dma_start3A_191 = tpu.memref_slice %arg9[%add3A_190, %dma_start3A] : memref<40x128xi32, #tpu.memory_space<vmem>> -> memref<1x128xi32, #tpu.memory_space<vmem>>
        %dma_start3A_192 = tpu.memref_squeeze %dma_start3A_191 : memref<1x128xi32, #tpu.memory_space<vmem>> -> memref<128xi32, #tpu.memory_space<vmem>>
        %dma_start3A_193 = arith.constant 0 : i32
        %dma_start3A_194 = arith.constant 0 : i32
        %dma_start3A_195 = tpu.memref_slice %arg2[%dma_start3A_193, %dma_start3A_194] : memref<10000x128xf32, #tpu.memory_space<hbm>> -> memref<10000x128xf32, #tpu.memory_space<hbm>>
        tpu.enqueue_indirect_dma source(%dma_start3A_195 : memref<10000x128xf32, #tpu.memory_space<hbm>>) target(%arg12 : memref<128x128xf32, #tpu.memory_space<vmem>>) offsets(%dma_start3A_192 : memref<128xi32, #tpu.memory_space<vmem>>) semaphore(%arg17 : memref<!tpu.dma_semaphore, #tpu.memory_space<semaphore_mem>>)
      } else {
      }
    }
    %scan3A_111 = arith.constant 20 : i32
    %add3A_112 = arith.constant 38 : i32
    %add3A_113 = arith.addi %add3A_92, %add3A_112 : i32
    %lt3A_114 = arith.constant 2500 : i32
    %lt3A_115 = arith.cmpi slt, %add3A_113, %lt3A_114 : i32
    %convert_element_type3A_116 = arith.extui %lt3A_115 : i1 to i32
    %cond3A_117 = arith.constant 0 : i32
    %cond3A_118 = arith.cmpi ne, %convert_element_type3A_116, %cond3A_117 : i32
    scf.if %cond3A_118 {
      %dma_wait3A = arith.constant 38 : i32
      %dma_wait3A_137 = arith.constant 0 : i32
      %dma_wait3A_138 = tpu.memref_slice %arg10[%dma_wait3A, %dma_wait3A_137] : memref<40x128xi32, #tpu.memory_space<vmem>> -> memref<1x128xi32, #tpu.memory_space<vmem>>
      %dma_wait3A_139 = tpu.memref_squeeze %dma_wait3A_138 : memref<1x128xi32, #tpu.memory_space<vmem>> -> memref<128xi32, #tpu.memory_space<vmem>>
      %dma_wait3A_140 = arith.constant 0 : i32
      %dma_wait3A_141 = arith.constant 0 : i32
      %dma_wait3A_142 = tpu.memref_slice %arg14[%dma_wait3A_140, %dma_wait3A_141] : memref<10008x128xf32, #tpu.memory_space<vmem_shared>> -> memref<10008x128xf32, #tpu.memory_space<vmem_shared>>
      tpu.wait_indirect_dma semaphore(%arg18 : memref<!tpu.dma_semaphore, #tpu.memory_space<semaphore_mem>>) src(%arg11 : memref<128x128xf32, #tpu.memory_space<vmem>>) dst(%dma_wait3A_142 : memref<10008x128xf32, #tpu.memory_space<vmem_shared>>)
      %dma_wait3A_143 = arith.constant 38 : i32
      %dma_wait3A_144 = arith.constant 0 : i32
      %dma_wait3A_145 = tpu.memref_slice %arg10[%dma_wait3A_143, %dma_wait3A_144] : memref<40x128xi32, #tpu.memory_space<vmem>> -> memref<1x128xi32, #tpu.memory_space<vmem>>
      %dma_wait3A_146 = tpu.memref_squeeze %dma_wait3A_145 : memref<1x128xi32, #tpu.memory_space<vmem>> -> memref<128xi32, #tpu.memory_space<vmem>>
      %dma_wait3A_147 = arith.constant 0 : i32
      %dma_wait3A_148 = tpu.memref_slice %arg15[%dma_wait3A_147] : memref<10008xf32, #tpu.memory_space<vmem_shared>> -> memref<10008xf32, #tpu.memory_space<vmem_shared>>
      tpu.wait_indirect_dma semaphore(%arg20 : memref<!tpu.dma_semaphore, #tpu.memory_space<semaphore_mem>>) src(%arg13 : memref<128xf32, #tpu.memory_space<vmem>>) dst(%dma_wait3A_148 : memref<10008xf32, #tpu.memory_space<vmem_shared>>)
    } else {
    }
    %add3A_119 = arith.constant 39 : i32
    %add3A_120 = arith.addi %add3A_92, %add3A_119 : i32
    %lt3A_121 = arith.constant 2500 : i32
    %lt3A_122 = arith.cmpi slt, %add3A_120, %lt3A_121 : i32
    %convert_element_type3A_123 = arith.extui %lt3A_122 : i1 to i32
    %cond3A_124 = arith.constant 0 : i32
    %cond3A_125 = arith.cmpi ne, %convert_element_type3A_123, %cond3A_124 : i32
    scf.if %cond3A_125 {
      %dma_wait3A = arith.constant 39 : i32
      %dma_wait3A_137 = arith.constant 0 : i32
      %dma_wait3A_138 = tpu.memref_slice %arg10[%dma_wait3A, %dma_wait3A_137] : memref<40x128xi32, #tpu.memory_space<vmem>> -> memref<1x128xi32, #tpu.memory_space<vmem>>
      %dma_wait3A_139 = tpu.memref_squeeze %dma_wait3A_138 : memref<1x128xi32, #tpu.memory_space<vmem>> -> memref<128xi32, #tpu.memory_space<vmem>>
      %dma_wait3A_140 = arith.constant 0 : i32
      %dma_wait3A_141 = arith.constant 0 : i32
      %dma_wait3A_142 = tpu.memref_slice %arg14[%dma_wait3A_140, %dma_wait3A_141] : memref<10008x128xf32, #tpu.memory_space<vmem_shared>> -> memref<10008x128xf32, #tpu.memory_space<vmem_shared>>
      tpu.wait_indirect_dma semaphore(%arg19 : memref<!tpu.dma_semaphore, #tpu.memory_space<semaphore_mem>>) src(%arg12 : memref<128x128xf32, #tpu.memory_space<vmem>>) dst(%dma_wait3A_142 : memref<10008x128xf32, #tpu.memory_space<vmem_shared>>)
      %dma_wait3A_143 = arith.constant 39 : i32
      %dma_wait3A_144 = arith.constant 0 : i32
      %dma_wait3A_145 = tpu.memref_slice %arg10[%dma_wait3A_143, %dma_wait3A_144] : memref<40x128xi32, #tpu.memory_space<vmem>> -> memref<1x128xi32, #tpu.memory_space<vmem>>
      %dma_wait3A_146 = tpu.memref_squeeze %dma_wait3A_145 : memref<1x128xi32, #tpu.memory_space<vmem>> -> memref<128xi32, #tpu.memory_space<vmem>>
      %dma_wait3A_147 = arith.constant 0 : i32
      %dma_wait3A_148 = tpu.memref_slice %arg15[%dma_wait3A_147] : memref<10008xf32, #tpu.memory_space<vmem_shared>> -> memref<10008xf32, #tpu.memory_space<vmem_shared>>
      tpu.wait_indirect_dma semaphore(%arg21 : memref<!tpu.dma_semaphore, #tpu.memory_space<semaphore_mem>>) src(%arg13 : memref<128xf32, #tpu.memory_space<vmem>>) dst(%dma_wait3A_148 : memref<10008xf32, #tpu.memory_space<vmem_shared>>)
    } else {
    }
    %barrier3A_126 = arith.constant 0 : index
    tpu.barrier barrier_id(%barrier3A_126)
    "tpu.region"() ({
      %run_scoped3A = tpu.sem_alloc : memref<!tpu.dma_semaphore, #tpu.memory_space<semaphore_mem>>
      %dma_start3A = arith.constant 0 : i32
      %dma_start3A_137 = tpu.memref_slice %arg7[%arg0, %mul3A_4, %dma_start3A] : memref<2x10000x128xf32, #tpu.memory_space<hbm>> -> memref<1x624x128xf32, #tpu.memory_space<hbm>>
      %dma_start3A_138 = tpu.memref_squeeze %dma_start3A_137 : memref<1x624x128xf32, #tpu.memory_space<hbm>> -> memref<624x128xf32, #tpu.memory_space<hbm>>
      %dma_start3A_139 = arith.constant 0 : i32
      %dma_start3A_140 = tpu.memref_slice %arg14[%mul3A_4, %dma_start3A_139] : memref<10008x128xf32, #tpu.memory_space<vmem_shared>> -> memref<624x128xf32, #tpu.memory_space<vmem_shared>>
      tpu.enqueue_dma source(%dma_start3A_140 : memref<624x128xf32, #tpu.memory_space<vmem_shared>>) target(%dma_start3A_138 : memref<624x128xf32, #tpu.memory_space<hbm>>) target_semaphore(%run_scoped3A : memref<!tpu.dma_semaphore, #tpu.memory_space<semaphore_mem>>)
      %dma_wait3A = arith.constant 0 : i32
      %dma_wait3A_141 = tpu.memref_slice %arg7[%arg0, %mul3A_4, %dma_wait3A] : memref<2x10000x128xf32, #tpu.memory_space<hbm>> -> memref<1x624x128xf32, #tpu.memory_space<hbm>>
      %dma_wait3A_142 = tpu.memref_squeeze %dma_wait3A_141 : memref<1x624x128xf32, #tpu.memory_space<hbm>> -> memref<624x128xf32, #tpu.memory_space<hbm>>
      %dma_wait3A_143 = arith.constant 0 : i32
      %dma_wait3A_144 = tpu.memref_slice %arg14[%mul3A_4, %dma_wait3A_143] : memref<10008x128xf32, #tpu.memory_space<vmem_shared>> -> memref<624x128xf32, #tpu.memory_space<vmem_shared>>
      tpu.wait_dma2 semaphore(%run_scoped3A : memref<!tpu.dma_semaphore, #tpu.memory_space<semaphore_mem>>) src(%dma_wait3A_144 : memref<624x128xf32, #tpu.memory_space<vmem_shared>>) dst(%dma_wait3A_142 : memref<624x128xf32, #tpu.memory_space<hbm>>)
      tpu.yield
    }) : () -> ()
    %eq3A_127 = arith.constant 15 : i32
    %eq3A_128 = arith.cmpi eq, %arg1, %eq3A_127 : i32
    %convert_element_type3A_129 = arith.extui %eq3A_128 : i1 to i32
    %cond3A_130 = arith.constant 0 : i32
    %cond3A_131 = arith.cmpi ne, %convert_element_type3A_129, %cond3A_130 : i32
    scf.if %cond3A_131 {
      "tpu.region"() ({
        %run_scoped3A = tpu.sem_alloc : memref<!tpu.dma_semaphore, #tpu.memory_space<semaphore_mem>>
        %dma_start3A = arith.constant 9984 : i32
        %dma_start3A_137 = arith.constant 0 : i32
        %dma_start3A_138 = tpu.memref_slice %arg7[%arg0, %dma_start3A, %dma_start3A_137] : memref<2x10000x128xf32, #tpu.memory_space<hbm>> -> memref<1x16x128xf32, #tpu.memory_space<hbm>>
        %dma_start3A_139 = tpu.memref_squeeze %dma_start3A_138 : memref<1x16x128xf32, #tpu.memory_space<hbm>> -> memref<16x128xf32, #tpu.memory_space<hbm>>
        %dma_start3A_140 = arith.constant 9984 : i32
        %dma_start3A_141 = arith.constant 0 : i32
        %dma_start3A_142 = tpu.memref_slice %arg14[%dma_start3A_140, %dma_start3A_141] : memref<10008x128xf32, #tpu.memory_space<vmem_shared>> -> memref<16x128xf32, #tpu.memory_space<vmem_shared>>
        tpu.enqueue_dma source(%dma_start3A_142 : memref<16x128xf32, #tpu.memory_space<vmem_shared>>) target(%dma_start3A_139 : memref<16x128xf32, #tpu.memory_space<hbm>>) target_semaphore(%run_scoped3A : memref<!tpu.dma_semaphore, #tpu.memory_space<semaphore_mem>>)
        %dma_wait3A = arith.constant 9984 : i32
        %dma_wait3A_143 = arith.constant 0 : i32
        %dma_wait3A_144 = tpu.memref_slice %arg7[%arg0, %dma_wait3A, %dma_wait3A_143] : memref<2x10000x128xf32, #tpu.memory_space<hbm>> -> memref<1x16x128xf32, #tpu.memory_space<hbm>>
        %dma_wait3A_145 = tpu.memref_squeeze %dma_wait3A_144 : memref<1x16x128xf32, #tpu.memory_space<hbm>> -> memref<16x128xf32, #tpu.memory_space<hbm>>
        %dma_wait3A_146 = arith.constant 9984 : i32
        %dma_wait3A_147 = arith.constant 0 : i32
        %dma_wait3A_148 = tpu.memref_slice %arg14[%dma_wait3A_146, %dma_wait3A_147] : memref<10008x128xf32, #tpu.memory_space<vmem_shared>> -> memref<16x128xf32, #tpu.memory_space<vmem_shared>>
        tpu.wait_dma2 semaphore(%run_scoped3A : memref<!tpu.dma_semaphore, #tpu.memory_space<semaphore_mem>>) src(%dma_wait3A_148 : memref<16x128xf32, #tpu.memory_space<vmem_shared>>) dst(%dma_wait3A_145 : memref<16x128xf32, #tpu.memory_space<hbm>>)
        tpu.yield
      }) : () -> ()
    } else {
    }
    %eq3A_132 = arith.constant 0 : i32
    %eq3A_133 = arith.cmpi eq, %arg1, %eq3A_132 : i32
    %convert_element_type3A_134 = arith.extui %eq3A_133 : i1 to i32
    %cond3A_135 = arith.constant 0 : i32
    %cond3A_136 = arith.cmpi ne, %convert_element_type3A_134, %cond3A_135 : i32
    scf.if %cond3A_136 {
      "tpu.region"() ({
        %run_scoped3A = tpu.sem_alloc : memref<!tpu.dma_semaphore, #tpu.memory_space<semaphore_mem>>
        %dma_start3A = arith.constant 0 : i32
        %dma_start3A_137 = tpu.memref_slice %arg8[%arg0, %dma_start3A] : memref<2x10008xf32, #tpu.memory_space<hbm>> -> memref<1x10008xf32, #tpu.memory_space<hbm>>
        %dma_start3A_138 = tpu.memref_squeeze %dma_start3A_137 : memref<1x10008xf32, #tpu.memory_space<hbm>> -> memref<10008xf32, #tpu.memory_space<hbm>>
        tpu.enqueue_dma source(%arg15 : memref<10008xf32, #tpu.memory_space<vmem_shared>>) target(%dma_start3A_138 : memref<10008xf32, #tpu.memory_space<hbm>>) target_semaphore(%run_scoped3A : memref<!tpu.dma_semaphore, #tpu.memory_space<semaphore_mem>>)
        %dma_wait3A = arith.constant 0 : i32
        %dma_wait3A_139 = tpu.memref_slice %arg8[%arg0, %dma_wait3A] : memref<2x10008xf32, #tpu.memory_space<hbm>> -> memref<1x10008xf32, #tpu.memory_space<hbm>>
        %dma_wait3A_140 = tpu.memref_squeeze %dma_wait3A_139 : memref<1x10008xf32, #tpu.memory_space<hbm>> -> memref<10008xf32, #tpu.memory_space<hbm>>
        tpu.wait_dma2 semaphore(%run_scoped3A : memref<!tpu.dma_semaphore, #tpu.memory_space<semaphore_mem>>) src(%arg15 : memref<10008xf32, #tpu.memory_space<vmem_shared>>) dst(%dma_wait3A_140 : memref<10008xf32, #tpu.memory_space<hbm>>)
        tpu.yield
      }) : () -> ()
    } else {
    }
    return
  }
}

module attributes {stable_mosaic.version = 14 : i64} {
  func.func @_encode_body(%arg0: memref<10000x4xf32, #tpu.memory_space<vmem>>, %arg1: memref<4x128xf32, #tpu.memory_space<vmem>>, %arg2: memref<1x128xf32, #tpu.memory_space<vmem>>, %arg3: memref<128x128xf32, #tpu.memory_space<vmem>>, %arg4: memref<1x128xf32, #tpu.memory_space<vmem>>, %arg5: memref<10000x128xf32, #tpu.memory_space<vmem>>, %arg6: memref<1x1xf32, #tpu.memory_space<vmem>>) attributes {dimension_semantics = [], scalar_prefetch = 0 : i64, scratch_operands = 0 : i64, tpu.core_type = #tpu.core_type<tc>} {
    %get3A = arith.constant 0 : index
    %get3A_0 = arith.constant 0 : index
    %get3A_1 = vector.load %arg0[%get3A, %get3A_0] : memref<10000x4xf32, #tpu.memory_space<vmem>>, vector<10000x4xf32>
    %get3A_2 = arith.constant 0 : index
    %get3A_3 = arith.constant 0 : index
    %get3A_4 = vector.load %arg1[%get3A_2, %get3A_3] : memref<4x128xf32, #tpu.memory_space<vmem>>, vector<4x128xf32>
    %dot_general3A = arith.constant dense<0.000000e+00> : vector<10000x128xf32>
    %dot_general3A_5 = tpu.matmul %get3A_1, %get3A_4, %dot_general3A {dimension_numbers = #tpu.dot_dimension_numbers<[1], [0], [0], [1], [0, 0, 1, 1], [], []>, transpose_lhs_hint = false} : vector<10000x4xf32>, vector<4x128xf32>, vector<10000x128xf32> -> vector<10000x128xf32>
    %get3A_6 = arith.constant 0 : index
    %get3A_7 = arith.constant 0 : index
    %get3A_8 = vector.load %arg2[%get3A_6, %get3A_7] : memref<1x128xf32, #tpu.memory_space<vmem>>, vector<1x128xf32>
    %add3A = vector.broadcast %get3A_8 : vector<1x128xf32> to vector<10000x128xf32>
    %add3A_9 = arith.addf %dot_general3A_5, %add3A : vector<10000x128xf32>
    %max3A = arith.constant 0.000000e+00 : f32
    %max3A_10 = vector.broadcast %max3A : f32 to vector<10000x128xf32>
    %max3A_11 = arith.maximumf %add3A_9, %max3A_10 : vector<10000x128xf32>
    %get3A_12 = arith.constant 0 : index
    %get3A_13 = arith.constant 0 : index
    %get3A_14 = vector.load %arg3[%get3A_12, %get3A_13] : memref<128x128xf32, #tpu.memory_space<vmem>>, vector<128x128xf32>
    %dot_general3A_15 = arith.constant dense<0.000000e+00> : vector<10000x128xf32>
    %dot_general3A_16 = tpu.matmul %max3A_11, %get3A_14, %dot_general3A_15 {dimension_numbers = #tpu.dot_dimension_numbers<[1], [0], [0], [1], [0, 0, 1, 1], [], []>, transpose_lhs_hint = false} : vector<10000x128xf32>, vector<128x128xf32>, vector<10000x128xf32> -> vector<10000x128xf32>
    %get3A_17 = arith.constant 0 : index
    %get3A_18 = arith.constant 0 : index
    %get3A_19 = vector.load %arg4[%get3A_17, %get3A_18] : memref<1x128xf32, #tpu.memory_space<vmem>>, vector<1x128xf32>
    %add3A_20 = vector.broadcast %get3A_19 : vector<1x128xf32> to vector<10000x128xf32>
    %add3A_21 = arith.addf %dot_general3A_16, %add3A_20 : vector<10000x128xf32>
    %swap3A = arith.constant 0 : index
    %swap3A_22 = arith.constant 0 : index
    %swap3A_23 = vector.load %arg5[%swap3A, %swap3A_22] : memref<10000x128xf32, #tpu.memory_space<vmem>>, vector<10000x128xf32>
    tpu.vector_store %arg5[%swap3A, %swap3A_22], %add3A_21 {strides = array<i32>} : memref<10000x128xf32, #tpu.memory_space<vmem>>, vector<10000x128xf32>,
    %reduce_sum3A = vector.shape_cast %add3A_21 : vector<10000x128xf32> to vector<1x10000x128xf32>
    %reduce_sum3A_24 = arith.constant dense<0.000000e+00> : vector<1xf32>
    %reduce_sum3A_25 = vector.multi_reduction <add>, %reduce_sum3A, %reduce_sum3A_24 [1, 2] : vector<1x10000x128xf32> to vector<1xf32>
    %reduce_sum3A_26 = vector.shape_cast %reduce_sum3A_25 : vector<1xf32> to vector<1x1x1xf32>
    %reduce_sum3A_27 = vector.extract %reduce_sum3A_26[0, 0, 0] : f32 from vector<1x1x1xf32>
    %reshape3A = vector.broadcast %reduce_sum3A_27 : f32 to vector<1x1xf32>
    %swap3A_28 = arith.constant 0 : index
    %swap3A_29 = arith.constant 0 : index
    %swap3A_30 = vector.load %arg6[%swap3A_28, %swap3A_29] : memref<1x1xf32, #tpu.memory_space<vmem>>, vector<1x1xf32>
    tpu.vector_store %arg6[%swap3A_28, %swap3A_29], %reshape3A {strides = array<i32>} : memref<1x1xf32, #tpu.memory_space<vmem>>, vector<1x1xf32>,
    return
  }
}

module attributes {stable_mosaic.version = 14 : i64} {
  func.func @_finish_body(%arg0: memref<2x10000x128xf32, #tpu.memory_space<vmem>>, %arg1: memref<2x10008xf32, #tpu.memory_space<vmem>>, %arg2: memref<1x1xf32, #tpu.memory_space<vmem>>, %arg3: memref<128x128xf32, #tpu.memory_space<vmem>>, %arg4: memref<1x128xf32, #tpu.memory_space<vmem>>, %arg5: memref<128x1xf32, #tpu.memory_space<vmem>>, %arg6: memref<1x1xf32, #tpu.memory_space<vmem>>, %arg7: memref<128x64xf32, #tpu.memory_space<vmem>>, %arg8: memref<1x64xf32, #tpu.memory_space<vmem>>, %arg9: memref<64x1xf32, #tpu.memory_space<vmem>>, %arg10: memref<1x1xf32, #tpu.memory_space<vmem>>, %arg11: memref<1x1xf32, #tpu.memory_space<vmem>>, %arg12: memref<1x1xf32, #tpu.memory_space<vmem>>, %arg13: memref<1x1xf32, #tpu.memory_space<vmem>>, %arg14: memref<1x128xf32, #tpu.memory_space<vmem>>) attributes {dimension_semantics = [], scalar_prefetch = 0 : i64, scratch_operands = 0 : i64, tpu.core_type = #tpu.core_type<tc>} {
    %get3A = arith.constant 0 : index
    %get3A_0 = arith.constant 0 : index
    %get3A_1 = arith.constant 0 : index
    %get3A_2 = vector.load %arg0[%get3A, %get3A_0, %get3A_1] : memref<2x10000x128xf32, #tpu.memory_space<vmem>>, vector<1x10000x128xf32>
    %get3A_3 = vector.shape_cast %get3A_2 : vector<1x10000x128xf32> to vector<10000x128xf32>
    %get3A_4 = arith.constant 1 : index
    %get3A_5 = arith.constant 0 : index
    %get3A_6 = arith.constant 0 : index
    %get3A_7 = vector.load %arg0[%get3A_4, %get3A_5, %get3A_6] : memref<2x10000x128xf32, #tpu.memory_space<vmem>>, vector<1x10000x128xf32>
    %get3A_8 = vector.shape_cast %get3A_7 : vector<1x10000x128xf32> to vector<10000x128xf32>
    %add3A = arith.addf %get3A_3, %get3A_8 : vector<10000x128xf32>
    %get3A_9 = arith.constant 0 : index
    %get3A_10 = arith.constant 0 : index
    %get3A_11 = vector.load %arg1[%get3A_9, %get3A_10] : memref<2x10008xf32, #tpu.memory_space<vmem>>, vector<1x10008xf32>
    %get3A_12 = vector.shape_cast %get3A_11 : vector<1x10008xf32> to vector<10008xf32>
    %get3A_13 = arith.constant 1 : index
    %get3A_14 = arith.constant 0 : index
    %get3A_15 = vector.load %arg1[%get3A_13, %get3A_14] : memref<2x10008xf32, #tpu.memory_space<vmem>>, vector<1x10008xf32>
    %get3A_16 = vector.shape_cast %get3A_15 : vector<1x10008xf32> to vector<10008xf32>
    %add3A_17 = arith.addf %get3A_12, %get3A_16 : vector<10008xf32>
    %slice3A = vector.extract_strided_slice %add3A_17 {offsets = [0], sizes = [10000], strides = [1]} : vector<10008xf32> to vector<10000xf32>
    %jit3A = arith.constant 1.000000e+00 : f32
    %max3A = vector.broadcast %jit3A : f32 to vector<10000xf32>
    %max3A_18 = arith.maximumf %max3A, %slice3A : vector<10000xf32>
    %broadcast_in_dim3A = vector.shape_cast %max3A_18 : vector<10000xf32> to vector<10000x1xf32>
    %div3A = vector.broadcast %broadcast_in_dim3A : vector<10000x1xf32> to vector<10000x128xf32>
    %div3A_19 = arith.divf %add3A, %div3A : vector<10000x128xf32>
    %get3A_20 = arith.constant 0 : index
    %get3A_21 = arith.constant 0 : index
    %get3A_22 = vector.load %arg3[%get3A_20, %get3A_21] : memref<128x128xf32, #tpu.memory_space<vmem>>, vector<128x128xf32>
    %dot_general3A = arith.constant dense<0.000000e+00> : vector<10000x128xf32>
    %dot_general3A_23 = tpu.matmul %div3A_19, %get3A_22, %dot_general3A {dimension_numbers = #tpu.dot_dimension_numbers<[1], [0], [0], [1], [0, 0, 1, 1], [], []>, transpose_lhs_hint = false} : vector<10000x128xf32>, vector<128x128xf32>, vector<10000x128xf32> -> vector<10000x128xf32>
    %get3A_24 = arith.constant 0 : index
    %get3A_25 = arith.constant 0 : index
    %get3A_26 = vector.load %arg4[%get3A_24, %get3A_25] : memref<1x128xf32, #tpu.memory_space<vmem>>, vector<1x128xf32>
    %add3A_27 = vector.broadcast %get3A_26 : vector<1x128xf32> to vector<10000x128xf32>
    %add3A_28 = arith.addf %dot_general3A_23, %add3A_27 : vector<10000x128xf32>
    %max3A_29 = arith.constant 0.000000e+00 : f32
    %max3A_30 = vector.broadcast %max3A_29 : f32 to vector<10000x128xf32>
    %max3A_31 = arith.maximumf %add3A_28, %max3A_30 : vector<10000x128xf32>
    %reduce_sum3A = arith.constant dense<0.000000e+00> : vector<128xf32>
    %reduce_sum3A_32 = vector.multi_reduction <add>, %max3A_31, %reduce_sum3A [0] : vector<10000x128xf32> to vector<128xf32>
    %broadcast_in_dim3A_33 = vector.shape_cast %reduce_sum3A_32 : vector<128xf32> to vector<1x128xf32>
    %div3A_34 = arith.constant 1.000000e+04 : f32
    %div3A_35 = vector.broadcast %div3A_34 : f32 to vector<1x128xf32>
    %div3A_36 = arith.divf %broadcast_in_dim3A_33, %div3A_35 : vector<1x128xf32>
    %swap3A = arith.constant 0 : index
    %swap3A_37 = arith.constant 0 : index
    %swap3A_38 = vector.load %arg14[%swap3A, %swap3A_37] : memref<1x128xf32, #tpu.memory_space<vmem>>, vector<1x128xf32>
    tpu.vector_store %arg14[%swap3A, %swap3A_37], %div3A_36 {strides = array<i32>} : memref<1x128xf32, #tpu.memory_space<vmem>>, vector<1x128xf32>,
    %get3A_39 = arith.constant 0 : index
    %get3A_40 = arith.constant 0 : index
    %get3A_41 = vector.load %arg5[%get3A_39, %get3A_40] : memref<128x1xf32, #tpu.memory_space<vmem>>, vector<128x1xf32>
    %dot_general3A_42 = arith.constant dense<0.000000e+00> : vector<1x1xf32>
    %dot_general3A_43 = tpu.matmul %div3A_36, %get3A_41, %dot_general3A_42 {dimension_numbers = #tpu.dot_dimension_numbers<[1], [0], [0], [1], [0, 0, 1, 1], [], []>, transpose_lhs_hint = false} : vector<1x128xf32>, vector<128x1xf32>, vector<1x1xf32> -> vector<1x1xf32>
    %get3A_44 = arith.constant 0 : index
    %get3A_45 = arith.constant 0 : index
    %get3A_46 = vector.load %arg6[%get3A_44, %get3A_45] : memref<1x1xf32, #tpu.memory_space<vmem>>, vector<1x1xf32>
    %add3A_47 = arith.addf %dot_general3A_43, %get3A_46 : vector<1x1xf32>
    %swap3A_48 = arith.constant 0 : index
    %swap3A_49 = arith.constant 0 : index
    %swap3A_50 = vector.load %arg11[%swap3A_48, %swap3A_49] : memref<1x1xf32, #tpu.memory_space<vmem>>, vector<1x1xf32>
    tpu.vector_store %arg11[%swap3A_48, %swap3A_49], %add3A_47 {strides = array<i32>} : memref<1x1xf32, #tpu.memory_space<vmem>>, vector<1x1xf32>,
    %get3A_51 = arith.constant 0 : index
    %get3A_52 = arith.constant 0 : index
    %get3A_53 = vector.load %arg7[%get3A_51, %get3A_52] : memref<128x64xf32, #tpu.memory_space<vmem>>, vector<128x64xf32>
    %dot_general3A_54 = arith.constant dense<0.000000e+00> : vector<1x64xf32>
    %dot_general3A_55 = tpu.matmul %div3A_36, %get3A_53, %dot_general3A_54 {dimension_numbers = #tpu.dot_dimension_numbers<[1], [0], [0], [1], [0, 0, 1, 1], [], []>, transpose_lhs_hint = false} : vector<1x128xf32>, vector<128x64xf32>, vector<1x64xf32> -> vector<1x64xf32>
    %get3A_56 = arith.constant 0 : index
    %get3A_57 = arith.constant 0 : index
    %get3A_58 = vector.load %arg8[%get3A_56, %get3A_57] : memref<1x64xf32, #tpu.memory_space<vmem>>, vector<1x64xf32>
    %add3A_59 = arith.addf %dot_general3A_55, %get3A_58 : vector<1x64xf32>
    %max3A_60 = arith.constant 0.000000e+00 : f32
    %max3A_61 = vector.broadcast %max3A_60 : f32 to vector<1x64xf32>
    %max3A_62 = arith.maximumf %add3A_59, %max3A_61 : vector<1x64xf32>
    %get3A_63 = arith.constant 0 : index
    %get3A_64 = arith.constant 0 : index
    %get3A_65 = vector.load %arg9[%get3A_63, %get3A_64] : memref<64x1xf32, #tpu.memory_space<vmem>>, vector<64x1xf32>
    %dot_general3A_66 = arith.constant dense<0.000000e+00> : vector<1x1xf32>
    %dot_general3A_67 = tpu.matmul %max3A_62, %get3A_65, %dot_general3A_66 {dimension_numbers = #tpu.dot_dimension_numbers<[1], [0], [0], [1], [0, 0, 1, 1], [], []>, transpose_lhs_hint = false} : vector<1x64xf32>, vector<64x1xf32>, vector<1x1xf32> -> vector<1x1xf32>
    %get3A_68 = arith.constant 0 : index
    %get3A_69 = arith.constant 0 : index
    %get3A_70 = vector.load %arg10[%get3A_68, %get3A_69] : memref<1x1xf32, #tpu.memory_space<vmem>>, vector<1x1xf32>
    %add3A_71 = arith.addf %dot_general3A_67, %get3A_70 : vector<1x1xf32>
    %neg3A = arith.constant 0.000000e+00 : f32
    %neg3A_72 = vector.broadcast %neg3A : f32 to vector<1x1xf32>
    %neg3A_73 = arith.subf %neg3A_72, %add3A_71 : vector<1x1xf32>
    %exp3A = math.exp %neg3A_73 : vector<1x1xf32>
    %add3A_74 = arith.constant 1.000000e+00 : f32
    %add3A_75 = vector.broadcast %add3A_74 : f32 to vector<1x1xf32>
    %add3A_76 = arith.addf %add3A_75, %exp3A : vector<1x1xf32>
    %div3A_77 = arith.constant 1.000000e+00 : f32
    %div3A_78 = vector.broadcast %div3A_77 : f32 to vector<1x1xf32>
    %div3A_79 = arith.divf %div3A_78, %add3A_76 : vector<1x1xf32>
    %swap3A_80 = arith.constant 0 : index
    %swap3A_81 = arith.constant 0 : index
    %swap3A_82 = vector.load %arg12[%swap3A_80, %swap3A_81] : memref<1x1xf32, #tpu.memory_space<vmem>>, vector<1x1xf32>
    tpu.vector_store %arg12[%swap3A_80, %swap3A_81], %div3A_79 {strides = array<i32>} : memref<1x1xf32, #tpu.memory_space<vmem>>, vector<1x1xf32>,
    %get3A_83 = arith.constant 0 : index
    %get3A_84 = arith.constant 0 : index
    %get3A_85 = vector.load %arg2[%get3A_83, %get3A_84] : memref<1x1xf32, #tpu.memory_space<vmem>>, vector<1x1xf32>
    %div3A_86 = arith.constant 1.000000e+04 : f32
    %div3A_87 = vector.broadcast %div3A_86 : f32 to vector<1x1xf32>
    %div3A_88 = arith.divf %get3A_85, %div3A_87 : vector<1x1xf32>
    %tanh3A = math.tanh %div3A_88 : vector<1x1xf32>
    %swap3A_89 = arith.constant 0 : index
    %swap3A_90 = arith.constant 0 : index
    %swap3A_91 = vector.load %arg13[%swap3A_89, %swap3A_90] : memref<1x1xf32, #tpu.memory_space<vmem>>, vector<1x1xf32>
    tpu.vector_store %arg13[%swap3A_89, %swap3A_90], %tanh3A {strides = array<i32>} : memref<1x1xf32, #tpu.memory_space<vmem>>, vector<1x1xf32>,
    return
  }
}

</mosaic_0001>

<sc_bundles>
// kernel: kernel.5.cloned.1.call-start
scs
__scs_entry_jumppad:
0x0: {  	(pc) =	sbr.rel $0x88, $3  }
0x1: {  	(tag) =	ssettag $0x0;
	lr =	simm.s32 $0x1  }
0x2: {  	[smem:$0x3F93] =	sst lr;
	_ =	strace $0xD0000000  }
0x3: {  	_ = 	snop  }
0x4: {  	_ = 	snop  }
0x5: {  	_ = 	snop  }
0x6: {  	_ = 	snop  }
0x7: {  	_ = 	snop  }
__scs_overlays_trampoline_lowered:
0x8: {  	[smem:$0x3FA2] =	sst s0  }
0x9: {  	[smem:$0x3FA3] =	sst s1  }
0xa: {  	[smem:$0x3FA4] =	sst s2  }
0xb: {  	[smem:$0x3FA5] =	sst s3  }
0xc: {  	[smem:$0x3FA6] =	sst s4  }
0xd: {  	[smem:$0x3FA7] =	sst s5  }
0xe: {  	[smem:$0x3FA8] =	sst s6  }
0xf: {  	[smem:$0x3FA9] =	sst s7  }
0x10: {  	[smem:$0x3FAA] =	sst s8  }
0x11: {  	[smem:$0x3FAB] =	sst s9;
	s0 =	simm.s32 @!p0 $0x0  }
0x12: {  	s1 =	sld [smem:$0x3F91];
	s0 =	simm.s32 @p0 $0x1  }
0x13: {  	[smem:$0x3FAC] =	sst s0;
	s0 =	simm.s32 @!p1 $0x0  }
0x14: {  	s2 =	sld [smem:$0x3F90];
	s0 =	simm.s32 @p1 $0x1  }
0x15: {  	[smem:$0x3FAD] =	sst s0;
	s0 =	simm.s32 @!p2 $0x0  }
0x16: {  	s3 =	sld [smem:$0x3FDB];
	s0 =	simm.s32 @p2 $0x1  }
0x17: {  	s4 =	simm.s32 $0x1BF5;
	[smem:$0x3FAF] =	sst s0  }
0x18: {  	s0 =	sld [smem:$0x3F92];
	_ =	swait.ge [sflag:s4], $0x0  }
0x19: {  	s7 =	sld [smem:$0x3F93]  }
0x1a: {  	s8 =	sadd.s32 $0xFFFFE003, lr  }
0x1b: {  	s9 =	sadd.s32 $0xFFFFFEF7, lr;
	s5 =	simm.s32 $0xFFFFFFFF;
	p2 =	slt.u32 s8, $0xFFFFF086  }
0x1c: {  	p1 =	slt.u32 s9, $0xF7A;
	s5 =	simm.s32 @!p2 $0x0  }
0x1d: {  	s5 =	simm.s32 @p1 $0x1;
	p0 =	seq.s32 s7, s2  }
0x1e: {  	s7 =	smul.u32 @!p0 $0xF7A, s2;
	p2 =	seq.s32 @!p0 s5, $0x0  }
0x1f: {  	s9 =	smul.u32 $0xF7A, s1;
	s8 =	simm.s32 @!p0 $0x1BF5;
	p2 =	por !p2, p0  }
0x20: {  	[sflag:s8] =	ssyncset.s32 @!p0 $0xFFFFF086;
	s6 =	sadd.s32 @!p0 s3, s7;
	s7 =	simm.s32 @!p0 $0x108  }
0x21: {  	s3 =	sadd.s32 s3, s9;
	s6 =	sadd.s32 @!p0 $0x88, s6;
	s7 =	simm.s32 @p2 $0x1082  }
0x22: {  	[simem:s7], [sflag:s8] =	dma.local @!p0 [hbm:s6], $0xF7A  }
0x23: {  	s9 =	sor.u32 $0xD0000000, s2;
	s6 =	simm.s32 $0x108;
	_ =	swait.ge @!p0 [sflag:s8], $0x0  }
0x24: {  	s3 =	sadd.s32 $0x88, s3;
	s6 =	simm.s32 @!p1 $0x1082;
	[sflag:s4] =	ssyncset.s32 $0xFFFFF086  }
0x25: {  	[simem:s6], [sflag:s4] =	dma.local [hbm:s3], $0xF7A  }
0x26: {  	[smem:$0x3F93] =	sst s1;
	(tag) =	ssettag s2;
	_ =	strace s9  }
0x27: {  	s1 =	sld [smem:$0x3FA3]  }
0x28: {  	s2 =	sld [smem:$0x3FA4]  }
0x29: {  	s4 =	sld [smem:$0x3FA6]  }
0x2a: {  	p0 =	seq.s32 s5, $0x0;
	s5 =	sld [smem:$0x3FA7]  }
0x2b: {  	s6 =	sld [smem:$0x3FA8]  }
0x2c: {  	s7 =	sld [smem:$0x3FA9]  }
0x2d: {  	s3 =	simm.s32 $0x108;
	s8 =	sld [smem:$0x3FAA]  }
0x2e: {  	s3 =	simm.s32 @!p0 $0x1082;
	s9 =	sld [smem:$0x3FAB]  }
0x2f: {  	lr =	sadd.s32 s0, s3;
	s0 =	sld [smem:$0x3FA2]  }
0x30: {  	s3 =	sld [smem:$0x3FA5]  }
0x31: {  	[smem:$0x3FAE] =	sst s10  }
0x32: {  	s10 =	sld [smem:$0x3FAC];
	_ =	sdelay $0x3  }
0x33: {  	p0 =	seq.s32 s10, $0x1;
	s10 =	sld [smem:$0x3FAE];
	_ =	sdelay $0x3  }
0x34: {  	[smem:$0x3FAE] =	sst s10  }
0x35: {  	s10 =	sld [smem:$0x3FAD];
	_ =	sdelay $0x3  }
0x36: {  	p1 =	seq.s32 s10, $0x1;
	s10 =	sld [smem:$0x3FAE];
	_ =	sdelay $0x3  }
0x37: {  	[smem:$0x3FAE] =	sst s10  }
0x38: {  	s10 =	sld [smem:$0x3FAF]  }
0x39: {  	_ = 	snop;
	(pc) =	sbr.ind lr, $3  }
0x3a: {  	_ = 	snop  }
0x3b: {  	_ = 	snop  }
0x3c: {  	p2 =	seq.s32 s10, $0x1;
	s10 =	sld [smem:$0x3FAE]  }
0x3d: {  	_ =	shalt  }
0x3e: {  	_ =	shalt  }
0x3f: {  	_ =	shalt  }
0x40: {  	_ =	shalt  }
0x41: {  	_ =	shalt  }
0x42: {  	_ =	shalt  }
0x43: {  	_ =	shalt  }
0x44: {  	_ =	shalt  }
0x45: {  	_ =	shalt  }
0x46: {  	_ =	shalt  }
0x47: {  	_ =	shalt  }
0x48: {  	_ =	shalt  }
0x49: {  	_ =	shalt  }
0x4a: {  	_ =	shalt  }
0x4b: {  	_ =	shalt  }
0x4c: {  	_ =	shalt  }
0x4d: {  	_ =	shalt  }
0x4e: {  	_ =	shalt  }
0x4f: {  	_ =	shalt  }
0x50: {  	_ =	shalt  }
0x51: {  	_ =	shalt  }
0x52: {  	_ =	shalt  }
0x53: {  	_ =	shalt  }
0x54: {  	_ =	shalt  }
0x55: {  	_ =	shalt  }
0x56: {  	_ =	shalt  }
0x57: {  	_ =	shalt  }
0x58: {  	_ =	shalt  }
0x59: {  	_ =	shalt  }
0x5a: {  	_ =	shalt  }
0x5b: {  	_ =	shalt  }
0x5c: {  	_ =	shalt  }
0x5d: {  	_ =	shalt  }
0x5e: {  	_ =	shalt  }
0x5f: {  	_ =	shalt  }
0x60: {  	_ =	shalt  }
0x61: {  	_ =	shalt  }
0x62: {  	_ =	shalt  }
0x63: {  	_ =	shalt  }
0x64: {  	_ =	shalt  }
0x65: {  	_ =	shalt  }
0x66: {  	_ =	shalt  }
0x67: {  	_ =	shalt  }
0x68: {  	_ =	shalt  }
0x69: {  	_ =	shalt  }
0x6a: {  	_ =	shalt  }
0x6b: {  	_ =	shalt  }
0x6c: {  	_ =	shalt  }
0x6d: {  	_ =	shalt  }
0x6e: {  	_ =	shalt  }
0x6f: {  	_ =	shalt  }
0x70: {  	_ =	shalt  }
0x71: {  	_ =	shalt  }
0x72: {  	_ =	shalt  }
0x73: {  	_ =	shalt  }
0x74: {  	_ =	shalt  }
0x75: {  	_ =	shalt  }
0x76: {  	_ =	shalt  }
0x77: {  	_ =	shalt  }
0x78: {  	_ =	shalt  }
0x79: {  	_ =	shalt  }
0x7a: {  	_ =	shalt  }
0x7b: {  	_ =	shalt  }
0x7c: {  	_ =	shalt  }
0x7d: {  	_ =	shalt  }
0x7e: {  	_ =	shalt  }
0x7f: {  	_ =	shalt  }
0x80: {  	_ =	shalt  }
0x81: {  	_ =	shalt  }
0x82: {  	_ =	shalt  }
0x83: {  	_ =	shalt  }
0x84: {  	_ =	shalt  }
0x85: {  	_ =	shalt  }
0x86: {  	_ =	shalt  }
0x87: {  	_ =	shalt  }
.Lfunc_end0:
.L_simem_size_0:
called_computation_lowered:
.L_overlay_start_0:
0x88: {  	s2 =	sld [smem:$0x3FD9]  }
0x89: {  	s3 =	sld [smem:$0x3FFE];
	_ =	sdelay $0x1  }
0x8a: {  	s1 =	srdreg.scid  }
0x8b: {  	s0 =	sand.u32 $0x1, s1  }
0x8c: {  	s16 =	sshll.u32 s0, $0xA;
	s2 =	sadd.s32 s3, s2  }
0x8d: {  	s2 =	sadd.s32 s2, s16  }
0x8e: {  	[smem:$0x3FBA] =	sst s2  }
0x8f: {  	_ = 	snop  }
0x90: {  	(tm) =	ssettm $0x1  }
0x91: {  	s17 =	sld [smem:$0x3FFB];
	_ =	sdelay $0x3  }
0x92: {  	_ =	strace s17  }
0x93: {  	s2 =	sld [smem:$0x3FFC];
	_ =	sdelay $0x3  }
0x94: {  	_ =	strace s2  }
0x95: {  	s2 =	sld [smem:$0x3FFD];
	_ =	sdelay $0x3  }
0x96: {  	_ =	strace s2  }
0x97: {  	_ =	strace $0x8FFFFFFF  }
0x98: {  	s18 =	sld [smem:$0x3FDB];
	_ =	sdelay $0x1  }
0x99: {  	s19 =	simm.s32 $_scs_section_size  }
0x9a: {  	s4 =	simm.s32 $_size__tile_overlayer_lowered;
	s5 =	simm.s32 $_tile_overlayer_lowered  }
0x9b: {  	s22 =	simm.s32 $0x1BFF;
	s21 =	sshll.u32 s5, $0x1;
	s2 =	sadd.s32 s19, s18  }
0x9c: {  	s6 =	simm.s32 $0x0;
	s20 =	sshll.u32 s4, $0x1;
	s4 =	sadd.s32 s21, s2  }
0x9d: {  	[timem:s6], [sflag:s22] =	dma.local [hbm:s4], s20  }
0x9e: {  	_ =	swait.ge [sflag:s22], s20  }
0x9f: {  	s3 =	ssub.s32 $0x0, s20;
	[sflag:s22] =	ssyncset.done $0x0  }
0xa0: {  	[sflag:s22] =	ssyncadd.s32 s3;
	_ =	sdelay $0x1  }
0xa1: {  	s23 =	simm.s32 $0x1B8B  }
0xa2: {  	_ =	swait.ge [sflag:s23], $0x1  }
0xa3: {  	[sflag:s23] =	ssyncset.done $0x0  }
0xa4: {  	s25 =	simm.s32 $0x1B8E;
	s24 =	sld [smem:$0x3FFE];
	[sflag:s23] =	ssyncadd.s32 $0xFFFFFFFF  }
0xa5: {  	s26 =	simm.s32 $execute0_lowered;
	[smem:$0x3FD2] =	sst s25  }
0xa6: {  	s4 =	sshll.u32 s26, $0x1;
	_ =	strace $0x80000046;
	[dreg:$0x1] =	wrdreg $0xFFFFFFFF  }
0xa7: {  	s28 =	simm.s32 $_size_execute0_lowered;
	s2 =	sadd.s32 s2, s4;
	[dreg:$0x0] =	wrdreg $0x0  }
0xa8: {  	s4 =	sshll.u32 s28, $0x1;
	[dreg:$0x2] =	wrdreg s2  }
0xa9: {  	[dreg:$0x3] =	wrdreg s4  }
0xaa: {  	[dreg:$0x4] =	wrdreg $0xC0  }
0xab: {  	_ =	task [dreg:s6], $0x5FFFF  }
0xac: {  	[dreg:$0x1] =	wrdreg $0xFFFFFFFF  }
0xad: {  	[dreg:$0x0] =	wrdreg $0x60  }
0xae: {  	[dreg:$0x2] =	wrdreg s24  }
0xaf: {  	[dreg:$0x3] =	wrdreg $0xA8800  }
0xb0: {  	[dreg:$0x4] =	wrdreg $0x1E1400  }
0xb1: {  	[dreg:$0x5] =	wrdreg $0x9  }
0xb2: {  	_ =	task.clear_ibuf [dreg:s6], $0x6FFFF;
	_ =	strace $0x90000046  }
0xb3: {  	s29 =	simm.s32 $0x9;
	_ =	strace $0x80000048  }
0xb4: {  	_ =	swait.ge [sflag:s29], $0x1  }
0xb5: {  	[sflag:s29] =	ssyncadd.s32 $0xFFFFFFFF  }
0xb6: {  	_ =	strace $0x90000048  }
0xb7: {  	_ =	sfence  }
0xb8: {  	s30 =	sld [smem:$0x0];
	_ =	sdelay $0x2  }
0xb9: {  	s31 =	sshll.u32 s1, $0xD;
	s1 =	sshrl.u32 s1, $0x2  }
0xba: {  	s3 =	sand.u32 $0x4000, s31;
	s1 =	sadd.s32 s1, s30  }
0xbb: {  	s0 =	sor.u32 s3, s0;
	s1 =	sshll.u32 s1, $0x11  }
0xbc: {  	s0 =	sor.u32 s1, s0  }
0xbd: {  	s0 =	sadd.s32 $0x8F2B, s0  }
0xbe: {  	[sflag:s0] =	ssyncadd.remote.s32 $0x1  }
0xbf: {  	_ =	sfence.sel $0xFFFF  }
0xc0: {  	[dreg:$0x0] =	wrdreg $0xFFFFFFFF;
	(pc) =	sbr.abs _section_cstart, $3  }
0xc1: {  	[dreg:$0x1] =	wrdreg $0xFFFFFFFF  }
0xc2: {  	_ =	task.clear_ibuf [dreg:s6], $0x2FFFF;
	_ =	strace $0x9FFFFFFF  }
0xc3: {  	(tm) =	ssettm $0x7FFFFFFF  }
tec
execute0_lowered:
.L_overlay_start_1:
0x0: {  	(tag) =	ssettag $0x1  }
0x1: {  	s0 =	rddreg [dreg:$0x0]  }
0x2: {  	s1 =	rddreg [dreg:$0x1]  }
0x3: {  	s3 =	rddreg [dreg:$0x2];
	s4 =	simm.s32 $0x0;
	s11 =	stileid.u32  }
0x4: {  	s8 =	srdreg.scid;
	s28 =	simm.s32 $0x0;
	[smem:$0x7FF] =	sst s4  }
0x5: {  	s2 =	smul.u32 $0x13800, s11;
	s5 =	sadd.s32 $0x16400, s0;
	s6 =	sadd.s32 $0xC200, s0  }
0x6: {  	s15 =	sadd.s32 $0x2200, s0;
	s12 =	sadd.s32 $0x64800, s0;
	s16 =	sand.u32 $0x1, s8  }
0x7: {  	s10 =	smul.u32 $0x4E000, s11;
	s17 =	sadd.s32 $0x64E00, s0;
	s19 =	sshll.u32 s11, $0x1  }
0x8: {  	s23 =	sshll.u32 s11, $0x6;
	s31 =	smul.u32 $0xA0, s11;
	p0 =	seq.s32 s11, $0x0  }
0x9: {  	_ =	strace $0x80000047;
	[dreg:$0x4] =	wrdreg s12;
	s13 =	sshll.u32 s16, $0x4  }
0xa: {  	s8 =	ssub.s32 $0x2, s16;
	s25 =	sor.u32 s16, s19;
	s26 =	smul.u32 $0x138800, s16  }
0xb: {  	p1 =	sne.s32 @!p0 s11, $0xF;
	s7 =	sshrl.u32 s2, $0x3;
	s18 =	sadd.s32 s13, s0  }
0xc: {  	s14 =	sshrl.u32 s8, $0x1;
	s21 =	sshrl.u32 s10, $0x2;
	s10 =	sadd.s32 $0x138000, s1  }
0xd: {  	p2 =	por p1, p0;
	p1 =	por !p1, p0;
	p4 =	seq.s32 s25, $0x1F  }
0xe: {  	s9 =	sadd.s32 s7, s0;
	s20 =	ssub.s32 s8, s14;
	s22 =	sadd.s32 s21, s1  }
0xf: {  	s14 =	smul.u32 $0x500, s25;
	s0 =	sadd.s32 $0x64600, s0;
	s2 =	sadd.s32 s2, s26  }
0x10: {  	s21 =	smul.u32 $0x50, s16;
	s18 =	sadd.s32 $0xB3000, s18;
	[dreg:$0x5] =	wrdreg s22  }
0x11: {  	s24 =	sadd.s32 $0x3D600, s9;
	s9 =	sor.u32 $0x1C07, s23;
	[dreg:$0x7] =	wrdreg s0  }
0x12: {  	s2 =	sshrl.u32 s2, $0x3;
	s0 =	sshrl.u32 s26, $0x3;
	s20 =	smax.u32 s20, $0x1  }
0x13: {  	s22 =	simm.s32 $0x7;
	[dreg:$0x6] =	wrdreg s24;
	s29 =	sadd.s32 s6, s14  }
0x14: {  	s30 =	sadd.s32 s15, s14;
	s16 =	sadd.s32 s17, s2;
	s0 =	sadd.s32 s17, s0  }
0x15: {  	[dreg:$0x8] =	wrdreg s29;
	s17 =	sadd.s32 $0x27000, s0;
	s0 =	simm.s32 @!p2 $0x0  }
0x16: {  	s23 =	simm.s32 $0x1400;
	[dreg:$0x9] =	wrdreg s30;
	s0 =	simm.s32 @p2 $0x1  }
0x17: {  	s19 =	sadd.s32 $0x280, s14;
	[smem:$0x7FB] =	sst s0;
	s0 =	simm.s32 @!p1 $0x0  }
0x18: {  	s6 =	sadd.s32 s6, s19;
	s0 =	simm.s32 @p1 $0x1;
	p1 =	sne.s32 s11, $0xF  }
0x19: {  	s15 =	sadd.s32 s15, s19;
	[smem:$0x7FC] =	sst s0;
	s0 =	simm.s32 @!p1 $0x0  }
0x1a: {  	s19 =	sadd.s32 s21, s31;
	[dreg:$0xa] =	wrdreg s6;
	s0 =	simm.s32 @p1 $0x1  }
0x1b: {  	v0 =	vimm.f32 $1.000000000e+00;
	s24 =	simm.s32 $0x80;
	s21 =	sadd.s32 $0x28, s19;
	[smem:$0x7FD] =	sst s0  }
.LBB2_1:
0x1c: {  	s0 =	rddreg [dreg:$0x5]  }
0x1d: {  	s6 =	rddreg [dreg:$0x6];
	s29 =	sshrl.u32 s0, $0x3  }
0x1e: {  	[spmem:s29], [sflag:s9] =	dma.local [hbm:s6], $0x2700  }
0x1f: {  	_ =	swait.ge [sflag:s22], $0x2700  }
0x20: {  	[sflag:s22] =	ssyncset.done $0x0  }
0x21: {  	s0 =	sshrl.u32 @p0 s3, $0x3;
	s2 =	rddreg [dreg:$0x4];
	[sflag:s22] =	ssyncadd.s32 $0xFFFFD900  }
0x22: {  	[spmem:s0], [sflag:s9] =	dma.local @p0 [hbm:s2], $0x4F0  }
0x23: {  	s0 =	simm.s32 @p0 $0x7  }
0x24: {  	_ =	swait.ge @p0 [sflag:s0], $0x4F0  }
0x25: {  	s7 =	sld [smem:$0x7FB];
	_ =	sdelay $0x2  }
0x26: {  	[sflag:s0] =	ssyncset.done @p0 $0x0;
	p3 =	seq.s32 s7, $0x1  }
0x27: {  	s2 =	rddreg [dreg:$0x7];
	[sflag:s0] =	ssyncadd.s32 @p0 $0xFFFFFB10;
	s0 =	sshrl.u32 @!p3 s10, $0x3  }
0x28: {  	[spmem:s0], [sflag:s9] =	dma.local @!p3 [hbm:s2], $0x100  }
0x29: {  	s0 =	simm.s32 @!p3 $0x7  }
0x2a: {  	_ =	swait.ge @!p3 [sflag:s0], $0x100  }
0x2b: {  	[sflag:s0] =	ssyncset.done @!p3 $0x0  }
0x2c: {  	[sflag:s0] =	ssyncadd.s32 @!p3 $0xFFFFFF00  }
0x2d: {  	[tilespmem:$0xA800] =	vst v0  }
0x2e: {  	[tilespmem:$0xA810] =	vst v0  }
0x2f: {  	[tilespmem:$0xA820] =	vst v0  }
0x30: {  	[tilespmem:$0xA830] =	vst v0  }
0x31: {  	[tilespmem:$0xA840] =	vst v0  }
0x32: {  	[tilespmem:$0xA850] =	vst v0  }
0x33: {  	[tilespmem:$0xA860] =	vst v0  }
0x34: {  	[tilespmem:$0xA870] =	vst v0  }
0x35: {  	[bflag:$0x0] =	sbarrier.arrive $0xFFFF  }
0x36: {  	s8 =	rddreg [dreg:$0x8]  }
0x37: {  	[tilespmem:s4], [sflag:$0x7] =	stream.linear.gather [hbm4b:s8+s4], $0x1400, $0x38;
	[tilespmem:$0x1E3B8] =	vst v63  }
0x38: {  	_ =	swait.ge [sflag:s22], $0x1400  }
0x39: {  	[sflag:s22] =	ssyncset.done $0x0  }
0x3a: {  	s11 =	rddreg [dreg:$0x9];
	[sflag:s22] =	ssyncadd.s32 $0xFFFFEC00  }
0x3b: {  	[tilespmem:s23], [sflag:$0x7] =	stream.linear.gather [hbm4b:s11+s4], $0x1400, $0x38;
	[tilespmem:$0x1E3B8] =	vst v63  }
0x3c: {  	_ =	swait.ge [sflag:s22], $0x1400  }
0x3d: {  	p1 =	sgt.u32 s19, $0x9C3;
	[sflag:s22] =	ssyncset.done $0x0  }
0x3e: {  	s12 =	simm.s32 $0x2800;
	p2 =	por p1, p1;
	[sflag:s22] =	ssyncadd.s32 $0xFFFFEC00  }
0x3f: {  	[tilespmem:s12], [sflag:$0x1] =	stream.indirect.gather [hbm4b:s5+s24], $0x80, s4, s24, $0xb8;
	[tilespmem:$0x1E3B8] =	vst v63  }
0x40: {  	s13 =	simm.s32 $0x6800;
	s0 =	simm.s32 @!p2 $0x1  }
0x41: {  	[tilespmem:s13], [sflag:$0x2] =	stream.indirect.gather [hbm4b:s5+s24], $0x80, s24, s24, $0xb8;
	[tilespmem:$0x1E3B8] =	vst v63  }
0x42: {  	s30 =	sadd.s32 $0x2, s19;
	_ =	swait.ge @!p2 [sflag:s0], $0x4000  }
0x43: {  	p1 =	sgt.u32 s30, $0x9C3;
	s6 =	simm.s32 @!p2 $0x80;
	[sflag:s0] =	ssyncset.done @!p2 $0x0  }
0x44: {  	s2 =	simm.s32 @!p2 $0x1400;
	[sflag:s0] =	ssyncadd.s32 @!p2 $0xFFFFC000;
	s0 =	simm.s32 @!p2 $0x2800  }
0x45: {  	[spmem:s1] =	stream.indirect.scatter.add.f32 @!p2 [tilespmem:s0], [sflag:$0x3], $0x80, s2, s6, $0xb8;
	[tilespmem:$0x1E3B8] =	vst v63  }
0x46: {  	s25 =	simm.s32 @!p1 $0x3;
	s0 =	simm.s32 @!p2 $0xA800  }
0x47: {  	[spmem:s3] =	stream.indirect.scatter.add.f32 @!p2 [tilespmem:s0], [sflag:$0x5], $0x1, s2, s6, $0xb8;
	[tilespmem:$0x1E3B8] =	vst v63  }
0x48: {  	_ =	swait.ge @!p1 [sflag:s25], $0x4000  }
0x49: {  	[sflag:s25] =	ssyncset.done @!p1 $0x0  }
0x4a: {  	s2 =	simm.s32 @!p1 $0x5;
	[sflag:s25] =	ssyncadd.s32 @!p1 $0xFFFFC000  }
0x4b: {  	_ =	swait.ge @!p1 [sflag:s2], $0x80  }
0x4c: {  	s26 =	simm.s32 @!p1 $0x2800;
	[sflag:s2] =	ssyncset.done @!p1 $0x0  }
0x4d: {  	s25 =	simm.s32 @!p1 $0x80;
	[sflag:s2] =	ssyncadd.s32 @!p1 $0xFFFFFF80;
	s2 =	simm.s32 @!p1 $0x100  }
0x4e: {  	[tilespmem:s26], [sflag:$0x1] =	stream.indirect.gather @!p1 [hbm4b:s5+s25], $0x80, s2, s25, $0xb8;
	[tilespmem:$0x1E3B8] =	vst v63  }
0x4f: {  	s2 =	simm.s32 @!p2 $0x2  }
0x50: {  	_ =	swait.ge @!p2 [sflag:s2], $0x4000  }
0x51: {  	[sflag:s2] =	ssyncset.done @!p2 $0x0  }
0x52: {  	s25 =	simm.s32 @!p2 $0x1480;
	s26 =	simm.s32 @!p2 $0x6800;
	[sflag:s2] =	ssyncadd.s32 @!p2 $0xFFFFC000  }
0x53: {  	[spmem:s1] =	stream.indirect.scatter.add.f32 @!p2 [tilespmem:s26], [sflag:$0x4], $0x80, s25, s6, $0xb8;
	[tilespmem:$0x1E3B8] =	vst v63  }
0x54: {  	s26 =	sld [smem:$0x7FC]  }
0x55: {  	s14 =	sadd.s32 $0x3, s19  }
0x56: {  	[spmem:s3] =	stream.indirect.scatter.add.f32 @!p2 [tilespmem:s0], [sflag:$0x6], $0x1, s25, s6, $0xb8;
	[tilespmem:$0x1E3B8] =	vst v63  }
0x57: {  	p3 =	por @!p3 $0x0, $0x0;
	p2 =	por $0x0, $0x0;
	p5 =	seq.s32 s26, $0x1  }
0x58: {  	p3 =	por @!p5 p2, p2;
	p2 =	sgt.u32 s14, $0x9C3  }
0x59: {  	p6 =	por @p0 $0x1, $0x1;
	s31 =	simm.s32 $0x400;
	s0 =	simm.s32 @!p2 $0x4  }
0x5a: {  	p1 =	por p1, p1;
	s2 =	simm.s32 $0x800;
	_ =	swait.ge @!p2 [sflag:s0], $0x4000  }
0x5b: {  	p6 =	por @!p0 p3, p3;
	s6 =	simm.s32 @!p2 $0x6;
	[sflag:s0] =	ssyncset.done @!p2 $0x0  }
0x5c: {  	s26 =	simm.s32 @!p2 $0x180;
	[sflag:s0] =	ssyncadd.s32 @!p2 $0xFFFFC000;
	s0 =	sadd.s32 $0x2, s30  }
.LBB2_2:
0x5d: {  	p3 =	sgt.u32 s0, $0x9C3  }
0x5e: {  	s7 =	simm.s32 @!p1 $0x1;
	_ =	swait.ge @!p2 [sflag:s6], $0x80;
	s25 =	smov.u32 s2  }
0x5f: {  	s2 =	sadd.s32 $0x400, s2;
	s8 =	simm.s32 @!p2 $0x80;
	[sflag:s6] =	ssyncset.done @!p2 $0x0  }
0x60: {  	s11 =	sshra.s32 @!p1 s31, $0x2;
	[sflag:s6] =	ssyncadd.s32 @!p2 $0xFFFFFF80;
	s6 =	simm.s32 @!p2 $0x6800  }
0x61: {  	[tilespmem:s6], [sflag:$0x2] =	stream.indirect.gather @!p2 [hbm4b:s5+s8], $0x80, s26, s8, $0xb8;
	[tilespmem:$0x1E3B8] =	vst v63  }
0x62: {  	s6 =	sadd.s32 @!p1 $0x1400, s11;
	s8 =	simm.s32 @!p1 $0x80;
	_ =	swait.ge @!p1 [sflag:s7], $0x4000  }
0x63: {  	p5 =	sne.s32 s2, $0x4C00;
	[sflag:s7] =	ssyncset.done @!p1 $0x0  }
0x64: {  	[sflag:s7] =	ssyncadd.s32 @!p1 $0xFFFFC000;
	s7 =	simm.s32 @!p1 $0x2800  }
0x65: {  	[spmem:s1] =	stream.indirect.scatter.add.f32 @!p1 [tilespmem:s7], [sflag:$0x3], $0x80, s6, s8, $0xb8;
	[tilespmem:$0x1E3B8] =	vst v63  }
0x66: {  	s12 =	sshra.s32 @!p3 s31, $0x2;
	s26 =	simm.s32 @!p3 $0x3;
	s7 =	simm.s32 @!p1 $0xA800  }
0x67: {  	[spmem:s3] =	stream.indirect.scatter.add.f32 @!p1 [tilespmem:s7], [sflag:$0x5], $0x1, s6, s8, $0xb8;
	[tilespmem:$0x1E3B8] =	vst v63  }
0x68: {  	s6 =	simm.s32 @!p3 $0x5;
	_ =	swait.ge @!p3 [sflag:s26], $0x4000  }
0x69: {  	[sflag:s26] =	ssyncset.done @!p3 $0x0  }
0x6a: {  	[sflag:s26] =	ssyncadd.s32 @!p3 $0xFFFFC000  }
0x6b: {  	s13 =	simm.s32 @!p3 $0x2800;
	s26 =	simm.s32 @!p3 $0x80;
	_ =	swait.ge @!p3 [sflag:s6], $0x80  }
0x6c: {  	s14 =	simm.s32 @!p1 $0x2;
	[sflag:s6] =	ssyncset.done @!p3 $0x0  }
0x6d: {  	[sflag:s6] =	ssyncadd.s32 @!p3 $0xFFFFFF80;
	s6 =	sadd.s32 @!p3 $0x100, s12  }
0x6e: {  	[tilespmem:s13], [sflag:$0x1] =	stream.indirect.gather @!p3 [hbm4b:s5+s26], $0x80, s6, s26, $0xb8;
	[tilespmem:$0x1E3B8] =	vst v63  }
0x6f: {  	s6 =	sadd.s32 @!p1 $0x1480, s11;
	s11 =	simm.s32 @!p1 $0x6800;
	_ =	swait.ge @!p1 [sflag:s14], $0x4000  }
0x70: {  	s12 =	sadd.s32 $0x3, s30;
	s30 =	smov.u32 s0;
	[sflag:s14] =	ssyncset.done @!p1 $0x0  }
0x71: {  	[sflag:s14] =	ssyncadd.s32 @!p1 $0xFFFFC000  }
0x72: {  	[spmem:s1] =	stream.indirect.scatter.add.f32 @!p1 [tilespmem:s11], [sflag:$0x4], $0x80, s6, s8, $0xb8;
	[tilespmem:$0x1E3B8] =	vst v63  }
0x73: {  	p2 =	sgt.u32 s12, $0x9C3  }
.Ltmp0:
0x74: {  	s12 =	sshra.s32 @!p2 s31, $0x2;
	s11 =	simm.s32 @!p2 $0x4;
	(pc) =	sbr.rel @p5 .LBB2_2-.Ltmp0, $4  }
0x75: {  	[spmem:s3] =	stream.indirect.scatter.add.f32 @!p1 [tilespmem:s7], [sflag:$0x6], $0x1, s6, s8, $0xb8;
	[tilespmem:$0x1E3B8] =	vst v63  }
0x76: {  	s26 =	sadd.s32 @!p2 $0x180, s12;
	s6 =	simm.s32 @!p2 $0x6;
	_ =	swait.ge @!p2 [sflag:s11], $0x4000  }
0x77: {  	s31 =	smov.u32 s25;
	p1 =	por p3, p3;
	[sflag:s11] =	ssyncset.done @!p2 $0x0  }
0x78: {  	s0 =	sadd.s32 $0x2, s0;
	[sflag:s11] =	ssyncadd.s32 @!p2 $0xFFFFC000  }
0x79: {  	_ =	swait.ge @!p2 [sflag:s6], $0x80  }
0x7a: {  	s2 =	simm.s32 @!p1 $0x1;
	[sflag:s6] =	ssyncset.done @!p2 $0x0  }
0x7b: {  	s7 =	simm.s32 @!p2 $0x80;
	[sflag:s6] =	ssyncadd.s32 @!p2 $0xFFFFFF80;
	s6 =	simm.s32 @!p2 $0x6800  }
0x7c: {  	[tilespmem:s6], [sflag:$0x2] =	stream.indirect.gather @!p2 [hbm4b:s5+s7], $0x80, s26, s7, $0xb8;
	[tilespmem:$0x1E3B8] =	vst v63  }
0x7d: {  	s8 =	simm.s32 @!p1 $0x80;
	_ =	swait.ge @!p1 [sflag:s2], $0x4000  }
0x7e: {  	s6 =	sshra.s32 @!p1 s31, $0x2;
	p2 =	sgt.u32 s0, $0x9C3;
	[sflag:s2] =	ssyncset.done @!p1 $0x0  }
0x7f: {  	s7 =	sadd.s32 @!p1 $0x1400, s6;
	[sflag:s2] =	ssyncadd.s32 @!p1 $0xFFFFC000;
	s2 =	simm.s32 @!p1 $0x2800  }
0x80: {  	[spmem:s1] =	stream.indirect.scatter.add.f32 @!p1 [tilespmem:s2], [sflag:$0x3], $0x80, s7, s8, $0xb8;
	[tilespmem:$0x1E3B8] =	vst v63  }
0x81: {  	s0 =	simm.s32 @!p1 $0xA800;
	s2 =	simm.s32 @!p2 $0x3  }
0x82: {  	[spmem:s3] =	stream.indirect.scatter.add.f32 @!p1 [tilespmem:s0], [sflag:$0x5], $0x1, s7, s8, $0xb8;
	[tilespmem:$0x1E3B8] =	vst v63  }
0x83: {  	_ =	swait.ge @!p2 [sflag:s2], $0x4000  }
0x84: {  	[sflag:s2] =	ssyncset.done @!p2 $0x0  }
0x85: {  	s7 =	simm.s32 @!p2 $0x5;
	[sflag:s2] =	ssyncadd.s32 @!p2 $0xFFFFC000  }
0x86: {  	s13 =	simm.s32 @!p1 $0x2;
	_ =	swait.ge @!p2 [sflag:s7], $0x80  }
0x87: {  	s11 =	simm.s32 @!p2 $0x80;
	s2 =	sshra.s32 @!p2 s31, $0x2;
	[sflag:s7] =	ssyncset.done @!p2 $0x0  }
0x88: {  	s12 =	simm.s32 @!p2 $0x2800;
	s2 =	sadd.s32 @!p2 $0x100, s2;
	[sflag:s7] =	ssyncadd.s32 @!p2 $0xFFFFFF80  }
0x89: {  	[tilespmem:s12], [sflag:$0x1] =	stream.indirect.gather @!p2 [hbm4b:s5+s11], $0x80, s2, s11, $0xb8;
	[tilespmem:$0x1E3B8] =	vst v63  }
0x8a: {  	_ =	swait.ge @!p1 [sflag:s13], $0x4000  }
0x8b: {  	s14 =	sadd.s32 $0x3, s30;
	s2 =	sadd.s32 @!p1 $0x1480, s6;
	[sflag:s13] =	ssyncset.done @!p1 $0x0  }
0x8c: {  	s6 =	simm.s32 @!p1 $0x6800;
	p2 =	sgt.u32 s14, $0x9C3;
	[sflag:s13] =	ssyncadd.s32 @!p1 $0xFFFFC000  }
0x8d: {  	[spmem:s1] =	stream.indirect.scatter.add.f32 @!p1 [tilespmem:s6], [sflag:$0x4], $0x80, s2, s8, $0xb8;
	[tilespmem:$0x1E3B8] =	vst v63  }
0x8e: {  	s6 =	simm.s32 @!p2 $0x4  }
0x8f: {  	[spmem:s3] =	stream.indirect.scatter.add.f32 @!p1 [tilespmem:s0], [sflag:$0x6], $0x1, s2, s8, $0xb8;
	[tilespmem:$0x1E3B8] =	vst v63  }
0x90: {  	_ =	swait.ge @!p2 [sflag:s6], $0x4000  }
0x91: {  	[sflag:s6] =	ssyncset.done @!p2 $0x0  }
0x92: {  	s0 =	simm.s32 @!p2 $0x6;
	[sflag:s6] =	ssyncadd.s32 @!p2 $0xFFFFC000  }
0x93: {  	s2 =	sshra.s32 @!p2 s31, $0x2;
	_ =	swait.ge @!p2 [sflag:s0], $0x80  }
0x94: {  	s2 =	sadd.s32 @!p2 $0x180, s2;
	[sflag:s0] =	ssyncset.done @!p2 $0x0  }
0x95: {  	s6 =	simm.s32 @!p2 $0x80;
	[sflag:s0] =	ssyncadd.s32 @!p2 $0xFFFFFF80;
	s0 =	simm.s32 @!p2 $0x6800  }
0x96: {  	[tilespmem:s0], [sflag:$0x2] =	stream.indirect.gather @!p2 [hbm4b:s5+s6], $0x80, s2, s6, $0xb8;
	[tilespmem:$0x1E3B8] =	vst v63  }
0x97: {  	s0 =	simm.s32 @!p4 $0x1  }
0x98: {  	_ =	swait.ge @!p4 [sflag:s0], $0x4000  }
0x99: {  	s2 =	simm.s32 @!p4 $0x2700;
	[sflag:s0] =	ssyncset.done @!p4 $0x0  }
0x9a: {  	s6 =	simm.s32 @!p4 $0x2800;
	[sflag:s0] =	ssyncadd.s32 @!p4 $0xFFFFC000;
	s0 =	simm.s32 @!p4 $0x80  }
0x9b: {  	[spmem:s1] =	stream.indirect.scatter.add.f32 @!p4 [tilespmem:s6], [sflag:$0x3], $0x80, s2, s0, $0xb8;
	[tilespmem:$0x1E3B8] =	vst v63  }
0x9c: {  	s7 =	simm.s32 @!p4 $0xA800  }
0x9d: {  	[spmem:s3] =	stream.indirect.scatter.add.f32 @!p4 [tilespmem:s7], [sflag:$0x5], $0x1, s2, s0, $0xb8;
	[tilespmem:$0x1E3B8] =	vst v63  }
0x9e: {  	s2 =	simm.s32 @!p4 $0x2  }
0x9f: {  	_ =	swait.ge @!p4 [sflag:s2], $0x4000  }
0xa0: {  	[sflag:s2] =	ssyncset.done @!p4 $0x0  }
0xa1: {  	s8 =	simm.s32 @!p4 $0x6800;
	[sflag:s2] =	ssyncadd.s32 @!p4 $0xFFFFC000;
	s2 =	simm.s32 @!p4 $0x2780  }
0xa2: {  	[spmem:s1] =	stream.indirect.scatter.add.f32 @!p4 [tilespmem:s8], [sflag:$0x4], $0x80, s2, s0, $0xb8;
	[tilespmem:$0x1E3B8] =	vst v63  }
0xa3: {  	_ = 	snop  }
0xa4: {  	[spmem:s3] =	stream.indirect.scatter.add.f32 @!p4 [tilespmem:s7], [sflag:$0x6], $0x1, s2, s0, $0xb8;
	[tilespmem:$0x1E3B8] =	vst v63  }
0xa5: {  	s2 =	simm.s32 @!p4 $0x3  }
0xa6: {  	_ =	swait.ge @!p4 [sflag:s2], $0x4000  }
0xa7: {  	[sflag:s2] =	ssyncset.done @!p4 $0x0  }
0xa8: {  	[sflag:s2] =	ssyncadd.s32 @!p4 $0xFFFFC000;
	s2 =	simm.s32 @!p4 $0x5  }
0xa9: {  	_ =	swait.ge @!p4 [sflag:s2], $0x80  }
0xaa: {  	[sflag:s2] =	ssyncset.done @!p4 $0x0  }
0xab: {  	[sflag:s2] =	ssyncadd.s32 @!p4 $0xFFFFFF80;
	s2 =	simm.s32 @!p4 $0x4  }
0xac: {  	_ =	swait.ge @!p4 [sflag:s2], $0x4000  }
0xad: {  	[sflag:s2] =	ssyncset.done @!p4 $0x0  }
0xae: {  	[sflag:s2] =	ssyncadd.s32 @!p4 $0xFFFFC000;
	s2 =	simm.s32 @!p4 $0x6  }
0xaf: {  	_ =	swait.ge @!p4 [sflag:s2], $0x80  }
0xb0: {  	[sflag:s2] =	ssyncset.done @!p4 $0x0  }
0xb1: {  	s25 =	rddreg [dreg:$0xa];
	[sflag:s2] =	ssyncadd.s32 @!p4 $0xFFFFFF80  }
0xb2: {  	[tilespmem:s4], [sflag:$0x7] =	stream.linear.gather [hbm4b:s25+s4], $0x1400, $0x38;
	[tilespmem:$0x1E3B8] =	vst v63  }
0xb3: {  	_ =	swait.ge [sflag:s22], $0x1400  }
0xb4: {  	[sflag:s22] =	ssyncset.done $0x0  }
0xb5: {  	[sflag:s22] =	ssyncadd.s32 $0xFFFFEC00  }
0xb6: {  	[tilespmem:s23], [sflag:$0x7] =	stream.linear.gather [hbm4b:s15+s4], $0x1400, $0x38;
	[tilespmem:$0x1E3B8] =	vst v63  }
0xb7: {  	_ =	swait.ge [sflag:s22], $0x1400  }
0xb8: {  	[sflag:s22] =	ssyncset.done $0x0  }
0xb9: {  	p5 =	sgt.u32 s21, $0x9C3;
	s2 =	simm.s32 @!p4 $0x0;
	[sflag:s22] =	ssyncadd.s32 $0xFFFFEC00  }
0xba: {  	[tilespmem:s6], [sflag:$0x1] =	stream.indirect.gather @!p4 [hbm4b:s5+s0], $0x80, s2, s0, $0xb8;
	[tilespmem:$0x1E3B8] =	vst v63  }
0xbb: {  	p3 =	por p5, p5  }
0xbc: {  	[tilespmem:s8], [sflag:$0x2] =	stream.indirect.gather @!p4 [hbm4b:s5+s0], $0x80, s0, s0, $0xb8;
	[tilespmem:$0x1E3B8] =	vst v63  }
0xbd: {  	s0 =	simm.s32 @!p3 $0x1  }
0xbe: {  	s30 =	sadd.s32 $0x2, s21;
	_ =	swait.ge @!p3 [sflag:s0], $0x4000  }
0xbf: {  	p1 =	sgt.u32 s30, $0x9C3;
	s2 =	simm.s32 @!p3 $0x1400;
	[sflag:s0] =	ssyncset.done @!p3 $0x0  }
0xc0: {  	s6 =	simm.s32 @!p3 $0x80;
	[sflag:s0] =	ssyncadd.s32 @!p3 $0xFFFFC000;
	s0 =	simm.s32 @!p3 $0x2800  }
0xc1: {  	[spmem:s1] =	stream.indirect.scatter.add.f32 @!p3 [tilespmem:s0], [sflag:$0x3], $0x80, s2, s6, $0xb8;
	[tilespmem:$0x1E3B8] =	vst v63  }
0xc2: {  	s7 =	simm.s32 @!p1 $0x3;
	s0 =	simm.s32 @!p3 $0xA800  }
0xc3: {  	[spmem:s3] =	stream.indirect.scatter.add.f32 @!p3 [tilespmem:s0], [sflag:$0x5], $0x1, s2, s6, $0xb8;
	[tilespmem:$0x1E3B8] =	vst v63  }
0xc4: {  	_ =	swait.ge @!p1 [sflag:s7], $0x4000  }
0xc5: {  	[sflag:s7] =	ssyncset.done @!p1 $0x0  }
0xc6: {  	s2 =	simm.s32 @!p1 $0x5;
	[sflag:s7] =	ssyncadd.s32 @!p1 $0xFFFFC000  }
0xc7: {  	_ =	swait.ge @!p1 [sflag:s2], $0x80  }
0xc8: {  	s11 =	simm.s32 @!p3 $0x2;
	s8 =	simm.s32 @!p1 $0x2800;
	[sflag:s2] =	ssyncset.done @!p1 $0x0  }
0xc9: {  	s7 =	simm.s32 @!p1 $0x80;
	[sflag:s2] =	ssyncadd.s32 @!p1 $0xFFFFFF80;
	s2 =	simm.s32 @!p1 $0x100  }
0xca: {  	[tilespmem:s8], [sflag:$0x1] =	stream.indirect.gather @!p1 [hbm4b:s5+s7], $0x80, s2, s7, $0xb8;
	[tilespmem:$0x1E3B8] =	vst v63  }
0xcb: {  	s26 =	sadd.s32 $0x3, s21;
	_ =	swait.ge @!p3 [sflag:s11], $0x4000  }
0xcc: {  	p2 =	sgt.u32 s26, $0x9C3;
	[sflag:s11] =	ssyncset.done @!p3 $0x0  }
0xcd: {  	s2 =	simm.s32 @!p3 $0x1480;
	s7 =	simm.s32 @!p3 $0x6800;
	[sflag:s11] =	ssyncadd.s32 @!p3 $0xFFFFC000  }
0xce: {  	[spmem:s1] =	stream.indirect.scatter.add.f32 @!p3 [tilespmem:s7], [sflag:$0x4], $0x80, s2, s6, $0xb8;
	[tilespmem:$0x1E3B8] =	vst v63  }
0xcf: {  	s7 =	simm.s32 @!p2 $0x4  }
0xd0: {  	[spmem:s3] =	stream.indirect.scatter.add.f32 @!p3 [tilespmem:s0], [sflag:$0x6], $0x1, s2, s6, $0xb8;
	[tilespmem:$0x1E3B8] =	vst v63  }
0xd1: {  	s31 =	simm.s32 $0x400;
	s26 =	simm.s32 @!p2 $0x180;
	_ =	swait.ge @!p2 [sflag:s7], $0x4000  }
0xd2: {  	p1 =	por p1, p1;
	s2 =	simm.s32 $0x800;
	[sflag:s7] =	ssyncset.done @!p2 $0x0  }
0xd3: {  	s6 =	simm.s32 @!p2 $0x6;
	s0 =	sadd.s32 $0x2, s30;
	[sflag:s7] =	ssyncadd.s32 @!p2 $0xFFFFC000  }
.LBB2_4:
0xd4: {  	p3 =	sgt.u32 s0, $0x9C3  }
0xd5: {  	s7 =	simm.s32 @!p1 $0x1;
	_ =	swait.ge @!p2 [sflag:s6], $0x80;
	s25 =	smov.u32 s2  }
0xd6: {  	s2 =	sadd.s32 $0x400, s2;
	s8 =	simm.s32 @!p2 $0x80;
	[sflag:s6] =	ssyncset.done @!p2 $0x0  }
0xd7: {  	s11 =	sshra.s32 @!p1 s31, $0x2;
	[sflag:s6] =	ssyncadd.s32 @!p2 $0xFFFFFF80;
	s6 =	simm.s32 @!p2 $0x6800  }
0xd8: {  	[tilespmem:s6], [sflag:$0x2] =	stream.indirect.gather @!p2 [hbm4b:s5+s8], $0x80, s26, s8, $0xb8;
	[tilespmem:$0x1E3B8] =	vst v63  }
0xd9: {  	s6 =	sadd.s32 @!p1 $0x1400, s11;
	s8 =	simm.s32 @!p1 $0x80;
	_ =	swait.ge @!p1 [sflag:s7], $0x4000  }
0xda: {  	p5 =	sne.s32 s2, $0x4C00;
	[sflag:s7] =	ssyncset.done @!p1 $0x0  }
0xdb: {  	[sflag:s7] =	ssyncadd.s32 @!p1 $0xFFFFC000;
	s7 =	simm.s32 @!p1 $0x2800  }
0xdc: {  	[spmem:s1] =	stream.indirect.scatter.add.f32 @!p1 [tilespmem:s7], [sflag:$0x3], $0x80, s6, s8, $0xb8;
	[tilespmem:$0x1E3B8] =	vst v63  }
0xdd: {  	s12 =	simm.s32 @!p3 $0x3;
	s13 =	sshra.s32 @!p3 s31, $0x2;
	s7 =	simm.s32 @!p1 $0xA800  }
0xde: {  	[spmem:s3] =	stream.indirect.scatter.add.f32 @!p1 [tilespmem:s7], [sflag:$0x5], $0x1, s6, s8, $0xb8;
	[tilespmem:$0x1E3B8] =	vst v63  }
0xdf: {  	s6 =	simm.s32 @!p3 $0x5;
	_ =	swait.ge @!p3 [sflag:s12], $0x4000  }
0xe0: {  	[sflag:s12] =	ssyncset.done @!p3 $0x0  }
0xe1: {  	[sflag:s12] =	ssyncadd.s32 @!p3 $0xFFFFC000  }
0xe2: {  	s14 =	simm.s32 @!p3 $0x2800;
	s12 =	simm.s32 @!p3 $0x80;
	_ =	swait.ge @!p3 [sflag:s6], $0x80  }
0xe3: {  	s26 =	simm.s32 @!p1 $0x2;
	[sflag:s6] =	ssyncset.done @!p3 $0x0  }
0xe4: {  	[sflag:s6] =	ssyncadd.s32 @!p3 $0xFFFFFF80;
	s6 =	sadd.s32 @!p3 $0x100, s13  }
0xe5: {  	[tilespmem:s14], [sflag:$0x1] =	stream.indirect.gather @!p3 [hbm4b:s5+s12], $0x80, s6, s12, $0xb8;
	[tilespmem:$0x1E3B8] =	vst v63  }
0xe6: {  	s6 =	sadd.s32 @!p1 $0x1480, s11;
	s11 =	simm.s32 @!p1 $0x6800;
	_ =	swait.ge @!p1 [sflag:s26], $0x4000  }
0xe7: {  	s12 =	sadd.s32 $0x3, s30;
	s30 =	smov.u32 s0;
	[sflag:s26] =	ssyncset.done @!p1 $0x0  }
0xe8: {  	[sflag:s26] =	ssyncadd.s32 @!p1 $0xFFFFC000  }
0xe9: {  	[spmem:s1] =	stream.indirect.scatter.add.f32 @!p1 [tilespmem:s11], [sflag:$0x4], $0x80, s6, s8, $0xb8;
	[tilespmem:$0x1E3B8] =	vst v63  }
0xea: {  	p2 =	sgt.u32 s12, $0x9C3  }
.Ltmp1:
0xeb: {  	s12 =	sshra.s32 @!p2 s31, $0x2;
	s11 =	simm.s32 @!p2 $0x4;
	(pc) =	sbr.rel @p5 .LBB2_4-.Ltmp1, $4  }
0xec: {  	[spmem:s3] =	stream.indirect.scatter.add.f32 @!p1 [tilespmem:s7], [sflag:$0x6], $0x1, s6, s8, $0xb8;
	[tilespmem:$0x1E3B8] =	vst v63  }
0xed: {  	s26 =	sadd.s32 @!p2 $0x180, s12;
	s6 =	simm.s32 @!p2 $0x6;
	_ =	swait.ge @!p2 [sflag:s11], $0x4000  }
0xee: {  	s31 =	smov.u32 s25;
	p1 =	por p3, p3;
	[sflag:s11] =	ssyncset.done @!p2 $0x0  }
0xef: {  	s0 =	sadd.s32 $0x2, s0;
	[sflag:s11] =	ssyncadd.s32 @!p2 $0xFFFFC000  }
0xf0: {  	_ =	swait.ge @!p2 [sflag:s6], $0x80  }
0xf1: {  	s2 =	simm.s32 @!p1 $0x1;
	[sflag:s6] =	ssyncset.done @!p2 $0x0  }
0xf2: {  	s7 =	simm.s32 @!p2 $0x80;
	[sflag:s6] =	ssyncadd.s32 @!p2 $0xFFFFFF80;
	s6 =	simm.s32 @!p2 $0x6800  }
0xf3: {  	[tilespmem:s6], [sflag:$0x2] =	stream.indirect.gather @!p2 [hbm4b:s5+s7], $0x80, s26, s7, $0xb8;
	[tilespmem:$0x1E3B8] =	vst v63  }
0xf4: {  	s8 =	simm.s32 @!p1 $0x80;
	_ =	swait.ge @!p1 [sflag:s2], $0x4000  }
0xf5: {  	s6 =	sshra.s32 @!p1 s31, $0x2;
	p2 =	sgt.u32 s0, $0x9C3;
	[sflag:s2] =	ssyncset.done @!p1 $0x0  }
0xf6: {  	s7 =	sadd.s32 @!p1 $0x1400, s6;
	[sflag:s2] =	ssyncadd.s32 @!p1 $0xFFFFC000;
	s2 =	simm.s32 @!p1 $0x2800  }
0xf7: {  	[spmem:s1] =	stream.indirect.scatter.add.f32 @!p1 [tilespmem:s2], [sflag:$0x3], $0x80, s7, s8, $0xb8;
	[tilespmem:$0x1E3B8] =	vst v63  }
0xf8: {  	s0 =	simm.s32 @!p1 $0xA800;
	s2 =	simm.s32 @!p2 $0x3  }
0xf9: {  	[spmem:s3] =	stream.indirect.scatter.add.f32 @!p1 [tilespmem:s0], [sflag:$0x5], $0x1, s7, s8, $0xb8;
	[tilespmem:$0x1E3B8] =	vst v63  }
0xfa: {  	_ =	swait.ge @!p2 [sflag:s2], $0x4000  }
0xfb: {  	[sflag:s2] =	ssyncset.done @!p2 $0x0  }
0xfc: {  	s7 =	simm.s32 @!p2 $0x5;
	[sflag:s2] =	ssyncadd.s32 @!p2 $0xFFFFC000  }
0xfd: {  	s13 =	simm.s32 @!p1 $0x2;
	_ =	swait.ge @!p2 [sflag:s7], $0x80  }
0xfe: {  	s11 =	simm.s32 @!p2 $0x80;
	s2 =	sshra.s32 @!p2 s31, $0x2;
	[sflag:s7] =	ssyncset.done @!p2 $0x0  }
0xff: {  	s12 =	simm.s32 @!p2 $0x2800;
	s2 =	sadd.s32 @!p2 $0x100, s2;
	[sflag:s7] =	ssyncadd.s32 @!p2 $0xFFFFFF80  }
0x100: {  	[tilespmem:s12], [sflag:$0x1] =	stream.indirect.gather @!p2 [hbm4b:s5+s11], $0x80, s2, s11, $0xb8;
	[tilespmem:$0x1E3B8] =	vst v63  }
0x101: {  	_ =	swait.ge @!p1 [sflag:s13], $0x4000  }
0x102: {  	s30 =	sadd.s32 $0x3, s30;
	s2 =	sadd.s32 @!p1 $0x1480, s6;
	[sflag:s13] =	ssyncset.done @!p1 $0x0  }
0x103: {  	s6 =	simm.s32 @!p1 $0x6800;
	p2 =	sgt.u32 s30, $0x9C3;
	[sflag:s13] =	ssyncadd.s32 @!p1 $0xFFFFC000  }
0x104: {  	[spmem:s1] =	stream.indirect.scatter.add.f32 @!p1 [tilespmem:s6], [sflag:$0x4], $0x80, s2, s8, $0xb8;
	[tilespmem:$0x1E3B8] =	vst v63  }
0x105: {  	s6 =	simm.s32 @!p2 $0x4  }
0x106: {  	[spmem:s3] =	stream.indirect.scatter.add.f32 @!p1 [tilespmem:s0], [sflag:$0x6], $0x1, s2, s8, $0xb8;
	[tilespmem:$0x1E3B8] =	vst v63  }
0x107: {  	_ =	swait.ge @!p2 [sflag:s6], $0x4000  }
0x108: {  	[sflag:s6] =	ssyncset.done @!p2 $0x0  }
0x109: {  	s0 =	simm.s32 @!p2 $0x6;
	[sflag:s6] =	ssyncadd.s32 @!p2 $0xFFFFC000  }
0x10a: {  	s2 =	sshra.s32 @!p2 s31, $0x2;
	_ =	swait.ge @!p2 [sflag:s0], $0x80  }
0x10b: {  	s2 =	sadd.s32 @!p2 $0x180, s2;
	[sflag:s0] =	ssyncset.done @!p2 $0x0  }
0x10c: {  	s6 =	simm.s32 @!p2 $0x80;
	[sflag:s0] =	ssyncadd.s32 @!p2 $0xFFFFFF80;
	s0 =	simm.s32 @!p2 $0x6800  }
0x10d: {  	[tilespmem:s0], [sflag:$0x2] =	stream.indirect.gather @!p2 [hbm4b:s5+s6], $0x80, s2, s6, $0xb8;
	[tilespmem:$0x1E3B8] =	vst v63  }
0x10e: {  	s0 =	simm.s32 @!p4 $0x1  }
0x10f: {  	_ =	swait.ge @!p4 [sflag:s0], $0x4000  }
0x110: {  	s2 =	simm.s32 @!p4 $0x2700;
	[sflag:s0] =	ssyncset.done @!p4 $0x0  }
0x111: {  	s6 =	simm.s32 @!p4 $0x2800;
	[sflag:s0] =	ssyncadd.s32 @!p4 $0xFFFFC000;
	s0 =	simm.s32 @!p4 $0x80  }
0x112: {  	[spmem:s1] =	stream.indirect.scatter.add.f32 @!p4 [tilespmem:s6], [sflag:$0x3], $0x80, s2, s0, $0xb8;
	[tilespmem:$0x1E3B8] =	vst v63  }
0x113: {  	s6 =	simm.s32 @!p4 $0xA800  }
0x114: {  	[spmem:s3] =	stream.indirect.scatter.add.f32 @!p4 [tilespmem:s6], [sflag:$0x5], $0x1, s2, s0, $0xb8;
	[tilespmem:$0x1E3B8] =	vst v63  }
0x115: {  	s2 =	simm.s32 @!p4 $0x2  }
0x116: {  	_ =	swait.ge @!p4 [sflag:s2], $0x4000  }
0x117: {  	[sflag:s2] =	ssyncset.done @!p4 $0x0  }
0x118: {  	s7 =	simm.s32 @!p4 $0x6800;
	[sflag:s2] =	ssyncadd.s32 @!p4 $0xFFFFC000;
	s2 =	simm.s32 @!p4 $0x2780  }
0x119: {  	[spmem:s1] =	stream.indirect.scatter.add.f32 @!p4 [tilespmem:s7], [sflag:$0x4], $0x80, s2, s0, $0xb8;
	[tilespmem:$0x1E3B8] =	vst v63  }
0x11a: {  	_ = 	snop  }
0x11b: {  	[spmem:s3] =	stream.indirect.scatter.add.f32 @!p4 [tilespmem:s6], [sflag:$0x6], $0x1, s2, s0, $0xb8;
	[tilespmem:$0x1E3B8] =	vst v63  }
0x11c: {  	s0 =	simm.s32 @!p4 $0x3  }
0x11d: {  	_ =	swait.ge @!p4 [sflag:s0], $0x4000  }
0x11e: {  	[sflag:s0] =	ssyncset.done @!p4 $0x0  }
0x11f: {  	[sflag:s0] =	ssyncadd.s32 @!p4 $0xFFFFC000;
	s0 =	simm.s32 @!p4 $0x5  }
0x120: {  	_ =	swait.ge @!p4 [sflag:s0], $0x80  }
0x121: {  	[sflag:s0] =	ssyncset.done @!p4 $0x0  }
0x122: {  	[sflag:s0] =	ssyncadd.s32 @!p4 $0xFFFFFF80;
	s0 =	simm.s32 @!p4 $0x4  }
0x123: {  	_ =	swait.ge @!p4 [sflag:s0], $0x4000  }
0x124: {  	[sflag:s0] =	ssyncset.done @!p4 $0x0  }
0x125: {  	[sflag:s0] =	ssyncadd.s32 @!p4 $0xFFFFC000;
	s0 =	simm.s32 @!p4 $0x6  }
0x126: {  	_ =	swait.ge @!p4 [sflag:s0], $0x80  }
0x127: {  	[sflag:s0] =	ssyncset.done @!p4 $0x0  }
0x128: {  	[sflag:s0] =	ssyncadd.s32 @!p4 $0xFFFFFF80  }
0x129: {  	[bflag:$0x0] =	sbarrier.arrive $0xFFFF  }
0x12a: {  	[hbm:s16], [sflag:s9] =	dma.local [spmem:s29], $0x2700  }
0x12b: {  	_ =	swait.ge [sflag:s22], $0x2700  }
0x12c: {  	s31 =	sld [smem:$0x7FD];
	_ =	sdelay $0x2  }
0x12d: {  	[sflag:s22] =	ssyncset.done $0x0;
	p1 =	seq.s32 s31, $0x1  }
0x12e: {  	[sflag:s22] =	ssyncadd.s32 $0xFFFFD900;
	s0 =	sshrl.u32 @!p1 s10, $0x3  }
0x12f: {  	[hbm:s17], [sflag:s9] =	dma.local @!p1 [spmem:s0], $0x100  }
0x130: {  	s0 =	simm.s32 @!p1 $0x7  }
0x131: {  	s28 =	sadd.s32 $0x1, s28;
	s7 =	simm.s32 @p6 $0x10;
	_ =	swait.ge @!p1 [sflag:s0], $0x100  }
0x132: {  	s2 =	simm.s32 @p6 $0x1;
	s6 =	simm.s32 @p6 $0x20;
	[sflag:s0] =	ssyncset.done @!p1 $0x0  }
0x133: {  	[sflag:s0] =	ssyncadd.s32 @!p1 $0xFFFFFF00;
	s0 =	sshrl.u32 @p6 s3, $0x3;
	p1 =	sne.s32 s28, s20  }
0x134: {  	[hbm:s18@s6], [sflag:s9] =	dma.strided @p6 [spmem:s0@s7], $0x4F0, s2, $0x10   }
.Ltmp2:
0x135: {  	_ = 	snop;
	(pc) =	sbr.rel @p1 .LBB2_1-.Ltmp2, $4  }
0x136: {  	s0 =	simm.s32 @p6 $0x7  }
0x137: {  	_ =	swait.ge @p6 [sflag:s0], $0x4F0  }
0x138: {  	[sflag:s0] =	ssyncset.done @p6 $0x0  }
0x139: {  	[sflag:s0] =	ssyncadd.s32 @p6 $0xFFFFFB10  }
0x13a: {  	_ =	sfence.sel $0x180000  }
0x13b: {  	[bflag:$0x0] =	sbarrier.arrive $0xFFFF  }
0x13c: {  	_ =	strace $0x90000047  }
0x13d: {  	s0 =	stileid.u32;
	[bflag:$0x2] =	sbarrier.arrive $0xFFFF  }
0x13e: {  	p0 =	sne.s32 s0, $0x0;
	s0 =	rddreg [dreg:$0x3]  }
0x13f: {  	s0 =	sadd.s32 @!p0 $0x100000, s0  }
0x140: {  	[sflag:s0] =	ssyncadd.tile.s32 @!p0 $0x1;
	_ =	shalt  }
.Lfunc_end2:
_tile_overlayer_lowered:
.L_overlay_start_2:
0x141: {  	(tag) =	ssettag $0x2  }
0x142: {  	s0 =	rddreg [dreg:$0x0];
	s2 =	stileid.u32  }
0x143: {  	s1 =	rddreg [dreg:$0x1];
	p0 =	sne.s32 s2, $0x0  }
0x144: {  	s3 =	rddreg [dreg:$0x2];
	[bflag:$0x3] =	sbarrier.arrive $0xFFFF;
	s2 =	simm.s32 @!p0 $0x1C07  }
0x145: {  	[timem:s3], [sflag:s2] =	dma.local @!p0 [hbm:s0], s1  }
0x146: {  	s0 =	simm.s32 @!p0 $0x7  }
0x147: {  	_ =	swait.ge @!p0 [sflag:s0], s1  }
0x148: {  	s1 =	ssub.s32 @!p0 $0x0, s1;
	[sflag:s0] =	ssyncset.done @!p0 $0x0  }
0x149: {  	[sflag:s0] =	ssyncadd.s32 @!p0 s1  }
0x14a: {  	[bflag:$0x3] =	sbarrier.arrive $0xFFFF  }
0x14b: {  	_ =	shalt  }

</sc_bundles>
